<compile_context>
chip_gen: v7x
topology: tpu7x:2x2x1
jax: 0.10.2.dev20260603
libtpu: 0.0.44.dev20260713+nightly
codegen_flags: <defaults>
</compile_context>

<pallas_src>
import functools

import jax
import jax.numpy as jnp
from jax import lax
from jax.experimental import pallas as pl
from jax.experimental.pallas import tpu as pltpu
from jax.experimental.pallas import tpu_sc as plsc

B, S, V = 32, 192, 8192
N = B * S
RB = 32

NC, NS, L = 2, 16, 16
NW = NC * NS
TPW = N // NW
GCH = 96


def _sc_gather_body(table, senf, noif, picked, xnoise,
                    sen_v, noi_v, rs_i, rn_i, out_s, out_n, sem):
    wid = lax.axis_index("s") * NC + lax.axis_index("c")
    base = wid * TPW
    pltpu.sync_copy(senf.at[pl.ds(base, TPW)], sen_v)
    pltpu.sync_copy(noif.at[pl.ds(base, TPW)], noi_v)
    for g in range(TPW // L):
        sl = pl.ds(g * L, L)
        toks = (base + g * L) * V + lax.iota(jnp.int32, L) * V
        rs_i[sl] = toks + sen_v[sl]
        rn_i[sl] = toks + noi_v[sl]
    cps = []
    for h in range(TPW // GCH):
        sl = pl.ds(h * GCH, GCH)
        cps.append(pltpu.async_copy(table.at[rs_i.at[sl]], out_s.at[sl], sem))
        cps.append(pltpu.async_copy(table.at[rn_i.at[sl]], out_n.at[sl], sem))
    for cp in cps:
        cp.wait()
    pltpu.sync_copy(out_s, picked.at[pl.ds(base, TPW)])
    pltpu.sync_copy(out_n, xnoise.at[pl.ds(base, TPW)])


def _sc_gather(logits2d, sen_flat, noi_flat):
    table = logits2d.reshape(N * V)
    mesh = plsc.VectorSubcoreMesh(core_axis_name="c", subcore_axis_name="s")
    f = pl.kernel(
        _sc_gather_body,
        mesh=mesh,
        out_type=[jax.ShapeDtypeStruct((N,), jnp.float32)] * 2,
        scratch_types=[
            pltpu.VMEM((TPW,), jnp.int32),
            pltpu.VMEM((TPW,), jnp.int32),
            pltpu.VMEM((TPW,), jnp.int32),
            pltpu.VMEM((TPW,), jnp.int32),
            pltpu.VMEM((TPW,), jnp.float32),
            pltpu.VMEM((TPW,), jnp.float32),
            pltpu.SemaphoreType.DMA,
        ],
    )
    return f(table, sen_flat, noi_flat)


def _reduce_body(x_ref, m_ref, s_ref):
    x = x_ref[...]
    m = jnp.max(x, axis=1, keepdims=True)
    e = jnp.exp(x - m)
    s = jnp.sum(e, axis=1, keepdims=True)
    m_ref[...] = m
    s_ref[...] = s


def _finish_body(m_ref, s_ref, p_ref, n_ref, sen_ref, noi_ref, msk_ref,
                 th_ref, thup_ref,
                 ratio_ref, e0_ref, e1_ref, sc_ref):
    m = m_ref[...]
    s = s_ref[...]
    p = p_ref[...]
    xn = n_ref[...]
    sen = sen_ref[...]
    noi = noi_ref[...]
    msk = msk_ref[...] != 0
    thresh = th_ref[0, 0]
    thup = thup_ref[0, 0]

    one = jnp.ones_like(m)
    zero = jnp.zeros_like(m)

    lse = m + jnp.log(s)
    loss = jnp.sum(jnp.where(msk, lse - p, zero))
    argeq = p == m
    acc = jnp.sum(jnp.where(msk & argeq, one, zero))

    col = jax.lax.broadcasted_iota(jnp.int32, m.shape, 1)
    inner = (col >= 1) & (col <= S - 2)

    ratio0 = jnp.exp(m - xn)
    e0raw = ratio0 > thup
    eraw = (ratio0 < thresh) & (~e0raw)
    china = (noi > 670) & (noi < 7992)
    err = eraw | (~china)
    e0out = (~e0raw) | (~china)

    ratio_ref[...] = jnp.where(err, one, ratio0)
    e0_ref[...] = e0out.astype(jnp.int32)
    e1_ref[...] = err.astype(jnp.int32)

    binl = noi == sen
    topeq = err | argeq

    def msum(b):
        return jnp.sum(jnp.where(b & inner, one, zero))

    tpd = (~binl) & (~err)
    tnd = (~binl) & err
    fpd = binl & (~err)
    TPD = msum(tpd)
    TND = msum(tnd)
    FPD = msum(fpd)
    tpc = tpd & topeq
    tnc = tnd | (tpd & (~topeq))
    TPC = msum(tpc)
    TNC = msum(tnc)
    FPC = FPD

    ione = jnp.ones_like(col)
    izero = jnp.zeros_like(col)
    bls = jnp.sum(jnp.where(inner & (~binl), ione, izero), axis=1, keepdims=True)
    lme = jnp.sum(jnp.where(inner & (binl != err), ione, izero), axis=1, keepdims=True)
    ntop = jnp.sum(jnp.where(inner & (~topeq), ione, izero), axis=1, keepdims=True)
    topsen = ntop == 0

    one_s = jnp.ones_like(bls, dtype=jnp.float32)
    zero_s = jnp.zeros_like(one_s)

    def ssum(b):
        return jnp.sum(jnp.where(b, one_s, zero_s))

    tpsd = (bls > 0) & (lme == 0)
    tnsd = (bls > 0) & (lme > 0)
    fpsd = (bls == 0) & (lme > 0)
    TPSD = ssum(tpsd)
    TNSD = ssum(tnsd)
    FPSD = ssum(fpsd)
    tpsc = tpsd & topsen
    tnsc = (bls > 0) & ((lme > 0) | ((lme == 0) & (~topsen)))
    TPSC = ssum(tpsc)
    TNSC = ssum(tnsc)
    FPSC = FPSD

    def prf(TP, TN, FP):
        eps = jnp.float32(1e-8)
        P = TP / (TP + FP + eps)
        R = TP / (TP + TN + eps)
        F = jnp.float32(2.0) * P * R / (P + R + eps)
        return P, R, F

    PD, RD, FD = prf(TPD, TND, FPD)
    PC, RC, FC = prf(TPC, TNC, FPC)
    PSD, RSD, FSD = prf(TPSD, TNSD, FPSD)
    PSC, RSC, FSC = prf(TPSC, TNSC, FPSC)

    vals = (loss, acc, TPD, TND, FPD, TPC, TNC, FPC,
            TPSD, TNSD, FPSD, TPSC, TNSC, FPSC,
            PD, RD, FD, PC, RC, FC, PSD, RSD, FSD, PSC, RSC, FSC)
    for k, v in enumerate(vals):
        sc_ref[0, k] = v


def kernel(sen, noise, logits, sequence_mask, sumls, pri, thresh, threshup):
    del pri
    x2 = logits.reshape(N, V)

    picked_flat, xn_flat = _sc_gather(x2, sen.reshape(N), noise.reshape(N))

    grid = N // RB
    m1, s1 = pl.pallas_call(
        _reduce_body,
        grid=(grid,),
        in_specs=[pl.BlockSpec((RB, V), lambda i: (i, 0))],
        out_specs=[
            pl.BlockSpec((RB, 1), lambda i: (i, 0)),
            pl.BlockSpec((RB, 1), lambda i: (i, 0)),
        ],
        out_shape=[jax.ShapeDtypeStruct((N, 1), jnp.float32)] * 2,
    )(x2)

    m2 = m1.reshape(B, S)
    s2 = s1.reshape(B, S)
    p2 = picked_flat.reshape(B, S)
    n2 = xn_flat.reshape(B, S)
    msk = sequence_mask.astype(jnp.int32)
    th = thresh.reshape(1, 1)
    thup = threshup.reshape(1, 1)

    ratio_f, e0_f, e1_f, scal = pl.pallas_call(
        _finish_body,
        in_specs=[pl.BlockSpec((B, S), lambda: (0, 0))] * 7
        + [pl.BlockSpec(memory_space=pltpu.SMEM)] * 2,
        out_specs=[
            pl.BlockSpec((B, S), lambda: (0, 0)),
            pl.BlockSpec((B, S), lambda: (0, 0)),
            pl.BlockSpec((B, S), lambda: (0, 0)),
            pl.BlockSpec(memory_space=pltpu.SMEM),
        ],
        out_shape=[
            jax.ShapeDtypeStruct((B, S), jnp.float32),
            jax.ShapeDtypeStruct((B, S), jnp.int32),
            jax.ShapeDtypeStruct((B, S), jnp.int32),
            jax.ShapeDtypeStruct((1, 32), jnp.float32),
        ],
    )(m2, s2, p2, n2, sen, noise, msk, th, thup)

    loss = scal[0, 0]
    acc = scal[0, 1]
    ratio = ratio_f[:, 1:S - 1]
    errtest0 = e0_f[:, 1:S - 1]
    errtest = e1_f[:, 1:S - 1]
    prf_scal = tuple(scal[0, k] for k in range(2, 26))
    return (loss, acc, sumls, ratio, errtest0, errtest) + prf_scal

# --- scband reference (transcript-rebuilt; emitter-appended) ---
"""Pipeline reference for scband-all-metrics-55319178772584 (READ-ONLY COPY).

The authoritative reference and input builder live on the scoring server;
editing this copy changes nothing except your own understanding.
"""

import jax, jax.numpy as jnp
import numpy as np

CHAR_DICT_LEN = 8192
B, S = 32, 192

def computePRF(TP, TN, FP):
    eps = 1e-8
    P = TP / (TP + FP + eps)
    R = TP / (TP + TN + eps)
    F = 2.0 * P * R / (P + R + eps)
    return P, R, F

def setup_inputs(seed: int = 0):
    key = jax.random.key(seed)
    k1, k2, k3, k4 = jax.random.split(key, 4)
    sen = jax.random.randint(k1, (B, S), 0, CHAR_DICT_LEN, dtype=jnp.int32)
    flip = jax.random.uniform(k4, (B, S)) < 0.1
    rnd = jax.random.randint(k2, (B, S), 671, 7992, dtype=jnp.int32)
    noise = jnp.where(flip, rnd, sen)
    logits = jax.random.normal(k3, (B, S, CHAR_DICT_LEN), dtype=jnp.float32)
    sequence_mask = jnp.ones((B, S), dtype=bool)
    sumls = jnp.asarray(float(B * S), dtype=jnp.float32)
    pri = 5
    thresh = jnp.asarray(5.0, dtype=jnp.float32)
    threshup = jnp.asarray(100.0, dtype=jnp.float32)
    return {"sen": sen, "noise": noise, "logits": logits, "sequence_mask": sequence_mask, "sumls": sumls, "pri": pri, "thresh": thresh, "threshup": threshup}

def _loss_with_acc(sen, logits, sequence_mask):
    lse = jax.nn.logsumexp(logits, axis=-1)
    picked = jnp.take_along_axis(logits, sen[..., None], axis=-1)[..., 0]
    loss_tok = lse - picked
    loss = jnp.sum(jnp.where(sequence_mask, loss_tok, jnp.zeros_like(loss_tok)))
    prediction = jnp.argmax(logits, axis=-1).astype(jnp.int32)
    prediction = jnp.where(sequence_mask, prediction, jnp.zeros_like(prediction))
    accuracy = (prediction == sen).astype(jnp.float32)
    accuracy = jnp.sum(jnp.where(sequence_mask, accuracy, jnp.zeros_like(accuracy)))
    return loss, accuracy

def _infer_error(sen, noise, logits, sequence_mask, sumls, pri, thresh, threshup):
    china = jnp.logical_and(noise > 670, noise < 7992)
    binlabel = (noise == sen).astype(jnp.int32)
    PRI = 5
    topk = jnp.argsort(-logits, axis=-1)[:, :, :PRI].astype(jnp.int32) + (jnp.asarray(pri, dtype=jnp.int32) - PRI)
    err = jnp.sum((topk == sen[:, :, None]).astype(jnp.int32), axis=-1)
    topk_accuracy = jnp.sum(err * sequence_mask.astype(jnp.int32)).astype(jnp.float32) / sumls
    topk = topk[:, 1:-1]
    prob = jax.nn.softmax(logits[:, 1:-1], axis=-1)
    probdescend = jnp.sort(prob, axis=-1)[:, :, ::-1][:, :, :PRI]
    probmax = jnp.max(prob, axis=-1)
    prob_n = jnp.take_along_axis(prob, noise[:, 1:-1, None], axis=-1)[..., 0]
    ratio = probmax / prob_n
    errtest0 = ratio > threshup
    errtest = ratio < thresh
    errtest = jnp.where(errtest0, jnp.zeros_like(errtest), errtest)
    china_m = china[:, 1:-1]
    errtest0 = jnp.logical_or(jnp.logical_not(errtest0), jnp.logical_not(china_m))
    errtest = jnp.logical_or(errtest, jnp.logical_not(china_m))
    topone = jnp.argmax(logits[:, 1:-1], axis=-1).astype(jnp.int32)
    topone = jnp.where(errtest, sen[:, 1:-1], topone)
    errtest0 = errtest0.astype(jnp.int32)
    errtest = errtest.astype(jnp.int32)
    ratio = jnp.where(errtest == 1, jnp.ones_like(ratio), ratio)
    return ratio, errtest0, errtest, binlabel, topone

def _prf(sen, binlabel, err, topone):
    binlabel_b = binlabel[:, 1:-1].astype(bool)
    err_b = err.astype(bool)
    one = jnp.ones(err_b.shape, dtype=jnp.float32)
    zero = jnp.zeros(err_b.shape, dtype=jnp.float32)
    tpd = jnp.logical_and(~binlabel_b, ~err_b)
    tnd = jnp.logical_and(~binlabel_b, err_b)
    fpd = jnp.logical_and(binlabel_b, ~err_b)
    TPD = jnp.sum(jnp.where(tpd, one, zero))
    TND = jnp.sum(jnp.where(tnd, one, zero))
    FPD = jnp.sum(jnp.where(fpd, one, zero))
    PD, RD, FD = computePRF(TPD, TND, FPD)
    sen_m = sen[:, 1:-1]
    tpc = jnp.logical_and(tpd, topone == sen_m)
    tnc = jnp.logical_or(tnd, jnp.logical_and(tpd, topone != sen_m))
    fpc = fpd
    TPC = jnp.sum(jnp.where(tpc, one, zero))
    TNC = jnp.sum(jnp.where(tnc, one, zero))
    FPC = jnp.sum(jnp.where(fpc, one, zero))
    PC, RC, FC = computePRF(TPC, TNC, FPC)
    binlabel_i = 1 - binlabel_b.astype(jnp.int32)
    err_i = 1 - err_b.astype(jnp.int32)
    binlabelsum = jnp.sum(binlabel_i, axis=-1)
    labelminuserrsum = jnp.sum(jnp.abs(binlabel_i - err_i), axis=-1)
    one_s = jnp.ones(binlabelsum.shape, dtype=jnp.float32)
    zero_s = jnp.zeros(binlabelsum.shape, dtype=jnp.float32)
    tpsd = jnp.logical_and(binlabelsum > 0, labelminuserrsum == 0)
    tnsd = jnp.logical_and(binlabelsum > 0, labelminuserrsum > 0)
    fpsd = jnp.logical_and(binlabelsum == 0, labelminuserrsum > 0)
    TPSD = jnp.sum(jnp.where(tpsd, one_s, zero_s))
    TNSD = jnp.sum(jnp.where(tnsd, one_s, zero_s))
    FPSD = jnp.sum(jnp.where(fpsd, one_s, zero_s))
    PSD, RSD, FSD = computePRF(TPSD, TNSD, FPSD)
    toponesen = jnp.sum((topone != sen_m).astype(jnp.int32), axis=-1) == 0
    tpsc = jnp.logical_and(tpsd, toponesen)
    tnsc = jnp.logical_and(binlabelsum > 0, jnp.logical_or(labelminuserrsum > 0, jnp.logical_and(labelminuserrsum == 0, ~toponesen)))
    fpsc = fpsd
    TPSC = jnp.sum(jnp.where(tpsc, one_s, zero_s))
    TNSC = jnp.sum(jnp.where(tnsc, one_s, zero_s))
    FPSC = jnp.sum(jnp.where(fpsc, one_s, zero_s))
    PSC, RSC, FSC = computePRF(TPSC, TNSC, FPSC)
    return (TPD, TND, FPD, TPC, TNC, FPC, TPSD, TNSD, FPSD, TPSC, TNSC, FPSC, PD, RD, FD, PC, RC, FC, PSD, RSD, FSD, PSC, RSC, FSC)

def reference(sen, noise, logits, sequence_mask, sumls, pri, thresh, threshup):
    loss, acc = _loss_with_acc(sen, logits, sequence_mask)
    ratio, errtest0, errtest, binlabel, topone = _infer_error(sen, noise, logits, sequence_mask, sumls, pri, thresh, threshup)
    prf = _prf(sen, binlabel, errtest, topone)
    return (loss, acc, sumls, ratio, errtest0, errtest) + prf

if __name__ == "__main__":
    import jax
    _d = setup_inputs()
    print(jax.jit(kernel)(*tuple(_d.values())))

</pallas_src>

<mosaic_0001>
#map = affine_map<(d0, d1) -> (0)>
module attributes {stable_mosaic.version = 14 : i64} {
  func.func @_sc_gather_body(%arg0: i32, %arg1: i32, %arg2: memref<50331648xf32, #tpu.memory_space<hbm>>, %arg3: memref<6144xi32, #tpu.memory_space<hbm>>, %arg4: memref<6144xi32, #tpu.memory_space<hbm>>, %arg5: memref<6144xf32, #tpu.memory_space<hbm>>, %arg6: memref<6144xf32, #tpu.memory_space<hbm>>, %arg7: memref<192xi32, #tpu.memory_space<vmem>>, %arg8: memref<192xi32, #tpu.memory_space<vmem>>, %arg9: memref<192xi32, #tpu.memory_space<vmem>>, %arg10: memref<192xi32, #tpu.memory_space<vmem>>, %arg11: memref<192xf32, #tpu.memory_space<vmem>>, %arg12: memref<192xf32, #tpu.memory_space<vmem>>, %arg13: memref<!tpu.dma_semaphore, #tpu.memory_space<semaphore_mem>>) attributes {dimension_semantics = [#tpu.dimension_semantics<core_parallel>, #tpu.dimension_semantics<subcore_parallel>], iteration_bounds = array<i64: 2, 16>, scalar_prefetch = 0 : i64, scratch_operands = 7 : i64, tpu.core_type = #tpu.core_type<sc_vector_subcore>, window_params = [{transform_indices = #map}, {transform_indices = #map}, {transform_indices = #map}, {transform_indices = #map}, {transform_indices = #map}]} {
    %mul3A = arith.constant 2 : i32
    %mul3A_0 = arith.muli %arg1, %mul3A : i32
    %add3A = arith.addi %mul3A_0, %arg0 : i32
    %mul3A_1 = arith.constant 192 : i32
    %mul3A_2 = arith.muli %add3A, %mul3A_1 : i32
    "tpu.region"() ({
      %run_scoped3A = tpu.sem_alloc : memref<!tpu.dma_semaphore, #tpu.memory_space<semaphore_mem>>
      %dma_start3A_358 = tpu.memref_slice %arg3[%mul3A_2] : memref<6144xi32, #tpu.memory_space<hbm>> -> memref<192xi32, #tpu.memory_space<hbm>>
      %dma_start3A_359 = tpu.memref_slice %arg3[%mul3A_2] : memref<6144xi32, #tpu.memory_space<hbm>> -> memref<192xi32, #tpu.memory_space<hbm>>
      tpu.enqueue_dma source(%dma_start3A_359 : memref<192xi32, #tpu.memory_space<hbm>>) target(%arg7 : memref<192xi32, #tpu.memory_space<vmem>>) target_semaphore(%run_scoped3A : memref<!tpu.dma_semaphore, #tpu.memory_space<semaphore_mem>>)
      %dma_wait3A_360 = tpu.memref_slice %arg3[%mul3A_2] : memref<6144xi32, #tpu.memory_space<hbm>> -> memref<192xi32, #tpu.memory_space<hbm>>
      %dma_wait3A_361 = tpu.memref_slice %arg3[%mul3A_2] : memref<6144xi32, #tpu.memory_space<hbm>> -> memref<192xi32, #tpu.memory_space<hbm>>
      tpu.wait_dma2 semaphore(%run_scoped3A : memref<!tpu.dma_semaphore, #tpu.memory_space<semaphore_mem>>) src(%dma_wait3A_361 : memref<192xi32, #tpu.memory_space<hbm>>) dst(%arg7 : memref<192xi32, #tpu.memory_space<vmem>>)
      tpu.yield
    }) : () -> ()
    "tpu.region"() ({
      %run_scoped3A = tpu.sem_alloc : memref<!tpu.dma_semaphore, #tpu.memory_space<semaphore_mem>>
      %dma_start3A_358 = tpu.memref_slice %arg4[%mul3A_2] : memref<6144xi32, #tpu.memory_space<hbm>> -> memref<192xi32, #tpu.memory_space<hbm>>
      %dma_start3A_359 = tpu.memref_slice %arg4[%mul3A_2] : memref<6144xi32, #tpu.memory_space<hbm>> -> memref<192xi32, #tpu.memory_space<hbm>>
      tpu.enqueue_dma source(%dma_start3A_359 : memref<192xi32, #tpu.memory_space<hbm>>) target(%arg8 : memref<192xi32, #tpu.memory_space<vmem>>) target_semaphore(%run_scoped3A : memref<!tpu.dma_semaphore, #tpu.memory_space<semaphore_mem>>)
      %dma_wait3A_360 = tpu.memref_slice %arg4[%mul3A_2] : memref<6144xi32, #tpu.memory_space<hbm>> -> memref<192xi32, #tpu.memory_space<hbm>>
      %dma_wait3A_361 = tpu.memref_slice %arg4[%mul3A_2] : memref<6144xi32, #tpu.memory_space<hbm>> -> memref<192xi32, #tpu.memory_space<hbm>>
      tpu.wait_dma2 semaphore(%run_scoped3A : memref<!tpu.dma_semaphore, #tpu.memory_space<semaphore_mem>>) src(%dma_wait3A_361 : memref<192xi32, #tpu.memory_space<hbm>>) dst(%arg8 : memref<192xi32, #tpu.memory_space<vmem>>)
      tpu.yield
    }) : () -> ()
    %add3A_3 = arith.constant 0 : i32
    %add3A_4 = arith.addi %mul3A_2, %add3A_3 : i32
    %mul3A_5 = arith.constant 8192 : i32
    %mul3A_6 = arith.muli %add3A_4, %mul3A_5 : i32
    %iota3A = tpu.iota {dimensions = array<i32: 0>} : vector<16xi32>
    %mul3A_7 = arith.constant 8192 : i32
    %mul3A_8 = vector.broadcast %mul3A_7 : i32 to vector<16xi32>
    %mul3A_9 = arith.muli %iota3A, %mul3A_8 : vector<16xi32>
    %add3A_10 = vector.broadcast %mul3A_6 : i32 to vector<16xi32>
    %add3A_11 = arith.addi %add3A_10, %mul3A_9 : vector<16xi32>
    %get3A = arith.constant 0 : index
    %get3A_12 = tpu.vector_load %arg7[%get3A] {strides = array<i32>} : memref<192xi32, #tpu.memory_space<vmem>>, vector<16xi32>,
    %get3A_13 = vector.shape_cast %get3A_12 : vector<16xi32> to vector<16xi32>
    %add3A_14 = arith.addi %add3A_11, %get3A_13 : vector<16xi32>
    %swap3A = arith.constant 0 : index
    %swap3A_15 = tpu.vector_load %arg9[%swap3A] {strides = array<i32>} : memref<192xi32, #tpu.memory_space<vmem>>, vector<16xi32>,
    %swap3A_16 = vector.shape_cast %swap3A_15 : vector<16xi32> to vector<16xi32>
    %swap3A_17 = vector.shape_cast %add3A_14 : vector<16xi32> to vector<16xi32>
    tpu.vector_store %arg9[%swap3A], %swap3A_17 {strides = array<i32>} : memref<192xi32, #tpu.memory_space<vmem>>, vector<16xi32>,
    %get3A_18 = arith.constant 0 : index
    %get3A_19 = tpu.vector_load %arg8[%get3A_18] {strides = array<i32>} : memref<192xi32, #tpu.memory_space<vmem>>, vector<16xi32>,
    %get3A_20 = vector.shape_cast %get3A_19 : vector<16xi32> to vector<16xi32>
    %add3A_21 = arith.addi %add3A_11, %get3A_20 : vector<16xi32>
    %swap3A_22 = arith.constant 0 : index
    %swap3A_23 = tpu.vector_load %arg10[%swap3A_22] {strides = array<i32>} : memref<192xi32, #tpu.memory_space<vmem>>, vector<16xi32>,
    %swap3A_24 = vector.shape_cast %swap3A_23 : vector<16xi32> to vector<16xi32>
    %swap3A_25 = vector.shape_cast %add3A_21 : vector<16xi32> to vector<16xi32>
    tpu.vector_store %arg10[%swap3A_22], %swap3A_25 {strides = array<i32>} : memref<192xi32, #tpu.memory_space<vmem>>, vector<16xi32>,
    %add3A_26 = arith.constant 16 : i32
    %add3A_27 = arith.addi %mul3A_2, %add3A_26 : i32
    %mul3A_28 = arith.constant 8192 : i32
    %mul3A_29 = arith.muli %add3A_27, %mul3A_28 : i32
    %iota3A_30 = tpu.iota {dimensions = array<i32: 0>} : vector<16xi32>
    %mul3A_31 = arith.constant 8192 : i32
    %mul3A_32 = vector.broadcast %mul3A_31 : i32 to vector<16xi32>
    %mul3A_33 = arith.muli %iota3A_30, %mul3A_32 : vector<16xi32>
    %add3A_34 = vector.broadcast %mul3A_29 : i32 to vector<16xi32>
    %add3A_35 = arith.addi %add3A_34, %mul3A_33 : vector<16xi32>
    %get3A_36 = arith.constant 16 : index
    %get3A_37 = tpu.vector_load %arg7[%get3A_36] {strides = array<i32>} : memref<192xi32, #tpu.memory_space<vmem>>, vector<16xi32>,
    %get3A_38 = vector.shape_cast %get3A_37 : vector<16xi32> to vector<16xi32>
    %add3A_39 = arith.addi %add3A_35, %get3A_38 : vector<16xi32>
    %swap3A_40 = arith.constant 16 : index
    %swap3A_41 = tpu.vector_load %arg9[%swap3A_40] {strides = array<i32>} : memref<192xi32, #tpu.memory_space<vmem>>, vector<16xi32>,
    %swap3A_42 = vector.shape_cast %swap3A_41 : vector<16xi32> to vector<16xi32>
    %swap3A_43 = vector.shape_cast %add3A_39 : vector<16xi32> to vector<16xi32>
    tpu.vector_store %arg9[%swap3A_40], %swap3A_43 {strides = array<i32>} : memref<192xi32, #tpu.memory_space<vmem>>, vector<16xi32>,
    %get3A_44 = arith.constant 16 : index
    %get3A_45 = tpu.vector_load %arg8[%get3A_44] {strides = array<i32>} : memref<192xi32, #tpu.memory_space<vmem>>, vector<16xi32>,
    %get3A_46 = vector.shape_cast %get3A_45 : vector<16xi32> to vector<16xi32>
    %add3A_47 = arith.addi %add3A_35, %get3A_46 : vector<16xi32>
    %swap3A_48 = arith.constant 16 : index
    %swap3A_49 = tpu.vector_load %arg10[%swap3A_48] {strides = array<i32>} : memref<192xi32, #tpu.memory_space<vmem>>, vector<16xi32>,
    %swap3A_50 = vector.shape_cast %swap3A_49 : vector<16xi32> to vector<16xi32>
    %swap3A_51 = vector.shape_cast %add3A_47 : vector<16xi32> to vector<16xi32>
    tpu.vector_store %arg10[%swap3A_48], %swap3A_51 {strides = array<i32>} : memref<192xi32, #tpu.memory_space<vmem>>, vector<16xi32>,
    %add3A_52 = arith.constant 32 : i32
    %add3A_53 = arith.addi %mul3A_2, %add3A_52 : i32
    %mul3A_54 = arith.constant 8192 : i32
    %mul3A_55 = arith.muli %add3A_53, %mul3A_54 : i32
    %iota3A_56 = tpu.iota {dimensions = array<i32: 0>} : vector<16xi32>
    %mul3A_57 = arith.constant 8192 : i32
    %mul3A_58 = vector.broadcast %mul3A_57 : i32 to vector<16xi32>
    %mul3A_59 = arith.muli %iota3A_56, %mul3A_58 : vector<16xi32>
    %add3A_60 = vector.broadcast %mul3A_55 : i32 to vector<16xi32>
    %add3A_61 = arith.addi %add3A_60, %mul3A_59 : vector<16xi32>
    %get3A_62 = arith.constant 32 : index
    %get3A_63 = tpu.vector_load %arg7[%get3A_62] {strides = array<i32>} : memref<192xi32, #tpu.memory_space<vmem>>, vector<16xi32>,
    %get3A_64 = vector.shape_cast %get3A_63 : vector<16xi32> to vector<16xi32>
    %add3A_65 = arith.addi %add3A_61, %get3A_64 : vector<16xi32>
    %swap3A_66 = arith.constant 32 : index
    %swap3A_67 = tpu.vector_load %arg9[%swap3A_66] {strides = array<i32>} : memref<192xi32, #tpu.memory_space<vmem>>, vector<16xi32>,
    %swap3A_68 = vector.shape_cast %swap3A_67 : vector<16xi32> to vector<16xi32>
    %swap3A_69 = vector.shape_cast %add3A_65 : vector<16xi32> to vector<16xi32>
    tpu.vector_store %arg9[%swap3A_66], %swap3A_69 {strides = array<i32>} : memref<192xi32, #tpu.memory_space<vmem>>, vector<16xi32>,
    %get3A_70 = arith.constant 32 : index
    %get3A_71 = tpu.vector_load %arg8[%get3A_70] {strides = array<i32>} : memref<192xi32, #tpu.memory_space<vmem>>, vector<16xi32>,
    %get3A_72 = vector.shape_cast %get3A_71 : vector<16xi32> to vector<16xi32>
    %add3A_73 = arith.addi %add3A_61, %get3A_72 : vector<16xi32>
    %swap3A_74 = arith.constant 32 : index
    %swap3A_75 = tpu.vector_load %arg10[%swap3A_74] {strides = array<i32>} : memref<192xi32, #tpu.memory_space<vmem>>, vector<16xi32>,
    %swap3A_76 = vector.shape_cast %swap3A_75 : vector<16xi32> to vector<16xi32>
    %swap3A_77 = vector.shape_cast %add3A_73 : vector<16xi32> to vector<16xi32>
    tpu.vector_store %arg10[%swap3A_74], %swap3A_77 {strides = array<i32>} : memref<192xi32, #tpu.memory_space<vmem>>, vector<16xi32>,
    %add3A_78 = arith.constant 48 : i32
    %add3A_79 = arith.addi %mul3A_2, %add3A_78 : i32
    %mul3A_80 = arith.constant 8192 : i32
    %mul3A_81 = arith.muli %add3A_79, %mul3A_80 : i32
    %iota3A_82 = tpu.iota {dimensions = array<i32: 0>} : vector<16xi32>
    %mul3A_83 = arith.constant 8192 : i32
    %mul3A_84 = vector.broadcast %mul3A_83 : i32 to vector<16xi32>
    %mul3A_85 = arith.muli %iota3A_82, %mul3A_84 : vector<16xi32>
    %add3A_86 = vector.broadcast %mul3A_81 : i32 to vector<16xi32>
    %add3A_87 = arith.addi %add3A_86, %mul3A_85 : vector<16xi32>
    %get3A_88 = arith.constant 48 : index
    %get3A_89 = tpu.vector_load %arg7[%get3A_88] {strides = array<i32>} : memref<192xi32, #tpu.memory_space<vmem>>, vector<16xi32>,
    %get3A_90 = vector.shape_cast %get3A_89 : vector<16xi32> to vector<16xi32>
    %add3A_91 = arith.addi %add3A_87, %get3A_90 : vector<16xi32>
    %swap3A_92 = arith.constant 48 : index
    %swap3A_93 = tpu.vector_load %arg9[%swap3A_92] {strides = array<i32>} : memref<192xi32, #tpu.memory_space<vmem>>, vector<16xi32>,
    %swap3A_94 = vector.shape_cast %swap3A_93 : vector<16xi32> to vector<16xi32>
    %swap3A_95 = vector.shape_cast %add3A_91 : vector<16xi32> to vector<16xi32>
    tpu.vector_store %arg9[%swap3A_92], %swap3A_95 {strides = array<i32>} : memref<192xi32, #tpu.memory_space<vmem>>, vector<16xi32>,
    %get3A_96 = arith.constant 48 : index
    %get3A_97 = tpu.vector_load %arg8[%get3A_96] {strides = array<i32>} : memref<192xi32, #tpu.memory_space<vmem>>, vector<16xi32>,
    %get3A_98 = vector.shape_cast %get3A_97 : vector<16xi32> to vector<16xi32>
    %add3A_99 = arith.addi %add3A_87, %get3A_98 : vector<16xi32>
    %swap3A_100 = arith.constant 48 : index
    %swap3A_101 = tpu.vector_load %arg10[%swap3A_100] {strides = array<i32>} : memref<192xi32, #tpu.memory_space<vmem>>, vector<16xi32>,
    %swap3A_102 = vector.shape_cast %swap3A_101 : vector<16xi32> to vector<16xi32>
    %swap3A_103 = vector.shape_cast %add3A_99 : vector<16xi32> to vector<16xi32>
    tpu.vector_store %arg10[%swap3A_100], %swap3A_103 {strides = array<i32>} : memref<192xi32, #tpu.memory_space<vmem>>, vector<16xi32>,
    %add3A_104 = arith.constant 64 : i32
    %add3A_105 = arith.addi %mul3A_2, %add3A_104 : i32
    %mul3A_106 = arith.constant 8192 : i32
    %mul3A_107 = arith.muli %add3A_105, %mul3A_106 : i32
    %iota3A_108 = tpu.iota {dimensions = array<i32: 0>} : vector<16xi32>
    %mul3A_109 = arith.constant 8192 : i32
    %mul3A_110 = vector.broadcast %mul3A_109 : i32 to vector<16xi32>
    %mul3A_111 = arith.muli %iota3A_108, %mul3A_110 : vector<16xi32>
    %add3A_112 = vector.broadcast %mul3A_107 : i32 to vector<16xi32>
    %add3A_113 = arith.addi %add3A_112, %mul3A_111 : vector<16xi32>
    %get3A_114 = arith.constant 64 : index
    %get3A_115 = tpu.vector_load %arg7[%get3A_114] {strides = array<i32>} : memref<192xi32, #tpu.memory_space<vmem>>, vector<16xi32>,
    %get3A_116 = vector.shape_cast %get3A_115 : vector<16xi32> to vector<16xi32>
    %add3A_117 = arith.addi %add3A_113, %get3A_116 : vector<16xi32>
    %swap3A_118 = arith.constant 64 : index
    %swap3A_119 = tpu.vector_load %arg9[%swap3A_118] {strides = array<i32>} : memref<192xi32, #tpu.memory_space<vmem>>, vector<16xi32>,
    %swap3A_120 = vector.shape_cast %swap3A_119 : vector<16xi32> to vector<16xi32>
    %swap3A_121 = vector.shape_cast %add3A_117 : vector<16xi32> to vector<16xi32>
    tpu.vector_store %arg9[%swap3A_118], %swap3A_121 {strides = array<i32>} : memref<192xi32, #tpu.memory_space<vmem>>, vector<16xi32>,
    %get3A_122 = arith.constant 64 : index
    %get3A_123 = tpu.vector_load %arg8[%get3A_122] {strides = array<i32>} : memref<192xi32, #tpu.memory_space<vmem>>, vector<16xi32>,
    %get3A_124 = vector.shape_cast %get3A_123 : vector<16xi32> to vector<16xi32>
    %add3A_125 = arith.addi %add3A_113, %get3A_124 : vector<16xi32>
    %swap3A_126 = arith.constant 64 : index
    %swap3A_127 = tpu.vector_load %arg10[%swap3A_126] {strides = array<i32>} : memref<192xi32, #tpu.memory_space<vmem>>, vector<16xi32>,
    %swap3A_128 = vector.shape_cast %swap3A_127 : vector<16xi32> to vector<16xi32>
    %swap3A_129 = vector.shape_cast %add3A_125 : vector<16xi32> to vector<16xi32>
    tpu.vector_store %arg10[%swap3A_126], %swap3A_129 {strides = array<i32>} : memref<192xi32, #tpu.memory_space<vmem>>, vector<16xi32>,
    %add3A_130 = arith.constant 80 : i32
    %add3A_131 = arith.addi %mul3A_2, %add3A_130 : i32
    %mul3A_132 = arith.constant 8192 : i32
    %mul3A_133 = arith.muli %add3A_131, %mul3A_132 : i32
    %iota3A_134 = tpu.iota {dimensions = array<i32: 0>} : vector<16xi32>
    %mul3A_135 = arith.constant 8192 : i32
    %mul3A_136 = vector.broadcast %mul3A_135 : i32 to vector<16xi32>
    %mul3A_137 = arith.muli %iota3A_134, %mul3A_136 : vector<16xi32>
    %add3A_138 = vector.broadcast %mul3A_133 : i32 to vector<16xi32>
    %add3A_139 = arith.addi %add3A_138, %mul3A_137 : vector<16xi32>
    %get3A_140 = arith.constant 80 : index
    %get3A_141 = tpu.vector_load %arg7[%get3A_140] {strides = array<i32>} : memref<192xi32, #tpu.memory_space<vmem>>, vector<16xi32>,
    %get3A_142 = vector.shape_cast %get3A_141 : vector<16xi32> to vector<16xi32>
    %add3A_143 = arith.addi %add3A_139, %get3A_142 : vector<16xi32>
    %swap3A_144 = arith.constant 80 : index
    %swap3A_145 = tpu.vector_load %arg9[%swap3A_144] {strides = array<i32>} : memref<192xi32, #tpu.memory_space<vmem>>, vector<16xi32>,
    %swap3A_146 = vector.shape_cast %swap3A_145 : vector<16xi32> to vector<16xi32>
    %swap3A_147 = vector.shape_cast %add3A_143 : vector<16xi32> to vector<16xi32>
    tpu.vector_store %arg9[%swap3A_144], %swap3A_147 {strides = array<i32>} : memref<192xi32, #tpu.memory_space<vmem>>, vector<16xi32>,
    %get3A_148 = arith.constant 80 : index
    %get3A_149 = tpu.vector_load %arg8[%get3A_148] {strides = array<i32>} : memref<192xi32, #tpu.memory_space<vmem>>, vector<16xi32>,
    %get3A_150 = vector.shape_cast %get3A_149 : vector<16xi32> to vector<16xi32>
    %add3A_151 = arith.addi %add3A_139, %get3A_150 : vector<16xi32>
    %swap3A_152 = arith.constant 80 : index
    %swap3A_153 = tpu.vector_load %arg10[%swap3A_152] {strides = array<i32>} : memref<192xi32, #tpu.memory_space<vmem>>, vector<16xi32>,
    %swap3A_154 = vector.shape_cast %swap3A_153 : vector<16xi32> to vector<16xi32>
    %swap3A_155 = vector.shape_cast %add3A_151 : vector<16xi32> to vector<16xi32>
    tpu.vector_store %arg10[%swap3A_152], %swap3A_155 {strides = array<i32>} : memref<192xi32, #tpu.memory_space<vmem>>, vector<16xi32>,
    %add3A_156 = arith.constant 96 : i32
    %add3A_157 = arith.addi %mul3A_2, %add3A_156 : i32
    %mul3A_158 = arith.constant 8192 : i32
    %mul3A_159 = arith.muli %add3A_157, %mul3A_158 : i32
    %iota3A_160 = tpu.iota {dimensions = array<i32: 0>} : vector<16xi32>
    %mul3A_161 = arith.constant 8192 : i32
    %mul3A_162 = vector.broadcast %mul3A_161 : i32 to vector<16xi32>
    %mul3A_163 = arith.muli %iota3A_160, %mul3A_162 : vector<16xi32>
    %add3A_164 = vector.broadcast %mul3A_159 : i32 to vector<16xi32>
    %add3A_165 = arith.addi %add3A_164, %mul3A_163 : vector<16xi32>
    %get3A_166 = arith.constant 96 : index
    %get3A_167 = tpu.vector_load %arg7[%get3A_166] {strides = array<i32>} : memref<192xi32, #tpu.memory_space<vmem>>, vector<16xi32>,
    %get3A_168 = vector.shape_cast %get3A_167 : vector<16xi32> to vector<16xi32>
    %add3A_169 = arith.addi %add3A_165, %get3A_168 : vector<16xi32>
    %swap3A_170 = arith.constant 96 : index
    %swap3A_171 = tpu.vector_load %arg9[%swap3A_170] {strides = array<i32>} : memref<192xi32, #tpu.memory_space<vmem>>, vector<16xi32>,
    %swap3A_172 = vector.shape_cast %swap3A_171 : vector<16xi32> to vector<16xi32>
    %swap3A_173 = vector.shape_cast %add3A_169 : vector<16xi32> to vector<16xi32>
    tpu.vector_store %arg9[%swap3A_170], %swap3A_173 {strides = array<i32>} : memref<192xi32, #tpu.memory_space<vmem>>, vector<16xi32>,
    %get3A_174 = arith.constant 96 : index
    %get3A_175 = tpu.vector_load %arg8[%get3A_174] {strides = array<i32>} : memref<192xi32, #tpu.memory_space<vmem>>, vector<16xi32>,
    %get3A_176 = vector.shape_cast %get3A_175 : vector<16xi32> to vector<16xi32>
    %add3A_177 = arith.addi %add3A_165, %get3A_176 : vector<16xi32>
    %swap3A_178 = arith.constant 96 : index
    %swap3A_179 = tpu.vector_load %arg10[%swap3A_178] {strides = array<i32>} : memref<192xi32, #tpu.memory_space<vmem>>, vector<16xi32>,
    %swap3A_180 = vector.shape_cast %swap3A_179 : vector<16xi32> to vector<16xi32>
    %swap3A_181 = vector.shape_cast %add3A_177 : vector<16xi32> to vector<16xi32>
    tpu.vector_store %arg10[%swap3A_178], %swap3A_181 {strides = array<i32>} : memref<192xi32, #tpu.memory_space<vmem>>, vector<16xi32>,
    %add3A_182 = arith.constant 112 : i32
    %add3A_183 = arith.addi %mul3A_2, %add3A_182 : i32
    %mul3A_184 = arith.constant 8192 : i32
    %mul3A_185 = arith.muli %add3A_183, %mul3A_184 : i32
    %iota3A_186 = tpu.iota {dimensions = array<i32: 0>} : vector<16xi32>
    %mul3A_187 = arith.constant 8192 : i32
    %mul3A_188 = vector.broadcast %mul3A_187 : i32 to vector<16xi32>
    %mul3A_189 = arith.muli %iota3A_186, %mul3A_188 : vector<16xi32>
    %add3A_190 = vector.broadcast %mul3A_185 : i32 to vector<16xi32>
    %add3A_191 = arith.addi %add3A_190, %mul3A_189 : vector<16xi32>
    %get3A_192 = arith.constant 112 : index
    %get3A_193 = tpu.vector_load %arg7[%get3A_192] {strides = array<i32>} : memref<192xi32, #tpu.memory_space<vmem>>, vector<16xi32>,
    %get3A_194 = vector.shape_cast %get3A_193 : vector<16xi32> to vector<16xi32>
    %add3A_195 = arith.addi %add3A_191, %get3A_194 : vector<16xi32>
    %swap3A_196 = arith.constant 112 : index
    %swap3A_197 = tpu.vector_load %arg9[%swap3A_196] {strides = array<i32>} : memref<192xi32, #tpu.memory_space<vmem>>, vector<16xi32>,
    %swap3A_198 = vector.shape_cast %swap3A_197 : vector<16xi32> to vector<16xi32>
    %swap3A_199 = vector.shape_cast %add3A_195 : vector<16xi32> to vector<16xi32>
    tpu.vector_store %arg9[%swap3A_196], %swap3A_199 {strides = array<i32>} : memref<192xi32, #tpu.memory_space<vmem>>, vector<16xi32>,
    %get3A_200 = arith.constant 112 : index
    %get3A_201 = tpu.vector_load %arg8[%get3A_200] {strides = array<i32>} : memref<192xi32, #tpu.memory_space<vmem>>, vector<16xi32>,
    %get3A_202 = vector.shape_cast %get3A_201 : vector<16xi32> to vector<16xi32>
    %add3A_203 = arith.addi %add3A_191, %get3A_202 : vector<16xi32>
    %swap3A_204 = arith.constant 112 : index
    %swap3A_205 = tpu.vector_load %arg10[%swap3A_204] {strides = array<i32>} : memref<192xi32, #tpu.memory_space<vmem>>, vector<16xi32>,
    %swap3A_206 = vector.shape_cast %swap3A_205 : vector<16xi32> to vector<16xi32>
    %swap3A_207 = vector.shape_cast %add3A_203 : vector<16xi32> to vector<16xi32>
    tpu.vector_store %arg10[%swap3A_204], %swap3A_207 {strides = array<i32>} : memref<192xi32, #tpu.memory_space<vmem>>, vector<16xi32>,
    %add3A_208 = arith.constant 128 : i32
    %add3A_209 = arith.addi %mul3A_2, %add3A_208 : i32
    %mul3A_210 = arith.constant 8192 : i32
    %mul3A_211 = arith.muli %add3A_209, %mul3A_210 : i32
    %iota3A_212 = tpu.iota {dimensions = array<i32: 0>} : vector<16xi32>
    %mul3A_213 = arith.constant 8192 : i32
    %mul3A_214 = vector.broadcast %mul3A_213 : i32 to vector<16xi32>
    %mul3A_215 = arith.muli %iota3A_212, %mul3A_214 : vector<16xi32>
    %add3A_216 = vector.broadcast %mul3A_211 : i32 to vector<16xi32>
    %add3A_217 = arith.addi %add3A_216, %mul3A_215 : vector<16xi32>
    %get3A_218 = arith.constant 128 : index
    %get3A_219 = tpu.vector_load %arg7[%get3A_218] {strides = array<i32>} : memref<192xi32, #tpu.memory_space<vmem>>, vector<16xi32>,
    %get3A_220 = vector.shape_cast %get3A_219 : vector<16xi32> to vector<16xi32>
    %add3A_221 = arith.addi %add3A_217, %get3A_220 : vector<16xi32>
    %swap3A_222 = arith.constant 128 : index
    %swap3A_223 = tpu.vector_load %arg9[%swap3A_222] {strides = array<i32>} : memref<192xi32, #tpu.memory_space<vmem>>, vector<16xi32>,
    %swap3A_224 = vector.shape_cast %swap3A_223 : vector<16xi32> to vector<16xi32>
    %swap3A_225 = vector.shape_cast %add3A_221 : vector<16xi32> to vector<16xi32>
    tpu.vector_store %arg9[%swap3A_222], %swap3A_225 {strides = array<i32>} : memref<192xi32, #tpu.memory_space<vmem>>, vector<16xi32>,
    %get3A_226 = arith.constant 128 : index
    %get3A_227 = tpu.vector_load %arg8[%get3A_226] {strides = array<i32>} : memref<192xi32, #tpu.memory_space<vmem>>, vector<16xi32>,
    %get3A_228 = vector.shape_cast %get3A_227 : vector<16xi32> to vector<16xi32>
    %add3A_229 = arith.addi %add3A_217, %get3A_228 : vector<16xi32>
    %swap3A_230 = arith.constant 128 : index
    %swap3A_231 = tpu.vector_load %arg10[%swap3A_230] {strides = array<i32>} : memref<192xi32, #tpu.memory_space<vmem>>, vector<16xi32>,
    %swap3A_232 = vector.shape_cast %swap3A_231 : vector<16xi32> to vector<16xi32>
    %swap3A_233 = vector.shape_cast %add3A_229 : vector<16xi32> to vector<16xi32>
    tpu.vector_store %arg10[%swap3A_230], %swap3A_233 {strides = array<i32>} : memref<192xi32, #tpu.memory_space<vmem>>, vector<16xi32>,
    %add3A_234 = arith.constant 144 : i32
    %add3A_235 = arith.addi %mul3A_2, %add3A_234 : i32
    %mul3A_236 = arith.constant 8192 : i32
    %mul3A_237 = arith.muli %add3A_235, %mul3A_236 : i32
    %iota3A_238 = tpu.iota {dimensions = array<i32: 0>} : vector<16xi32>
    %mul3A_239 = arith.constant 8192 : i32
    %mul3A_240 = vector.broadcast %mul3A_239 : i32 to vector<16xi32>
    %mul3A_241 = arith.muli %iota3A_238, %mul3A_240 : vector<16xi32>
    %add3A_242 = vector.broadcast %mul3A_237 : i32 to vector<16xi32>
    %add3A_243 = arith.addi %add3A_242, %mul3A_241 : vector<16xi32>
    %get3A_244 = arith.constant 144 : index
    %get3A_245 = tpu.vector_load %arg7[%get3A_244] {strides = array<i32>} : memref<192xi32, #tpu.memory_space<vmem>>, vector<16xi32>,
    %get3A_246 = vector.shape_cast %get3A_245 : vector<16xi32> to vector<16xi32>
    %add3A_247 = arith.addi %add3A_243, %get3A_246 : vector<16xi32>
    %swap3A_248 = arith.constant 144 : index
    %swap3A_249 = tpu.vector_load %arg9[%swap3A_248] {strides = array<i32>} : memref<192xi32, #tpu.memory_space<vmem>>, vector<16xi32>,
    %swap3A_250 = vector.shape_cast %swap3A_249 : vector<16xi32> to vector<16xi32>
    %swap3A_251 = vector.shape_cast %add3A_247 : vector<16xi32> to vector<16xi32>
    tpu.vector_store %arg9[%swap3A_248], %swap3A_251 {strides = array<i32>} : memref<192xi32, #tpu.memory_space<vmem>>, vector<16xi32>,
    %get3A_252 = arith.constant 144 : index
    %get3A_253 = tpu.vector_load %arg8[%get3A_252] {strides = array<i32>} : memref<192xi32, #tpu.memory_space<vmem>>, vector<16xi32>,
    %get3A_254 = vector.shape_cast %get3A_253 : vector<16xi32> to vector<16xi32>
    %add3A_255 = arith.addi %add3A_243, %get3A_254 : vector<16xi32>
    %swap3A_256 = arith.constant 144 : index
    %swap3A_257 = tpu.vector_load %arg10[%swap3A_256] {strides = array<i32>} : memref<192xi32, #tpu.memory_space<vmem>>, vector<16xi32>,
    %swap3A_258 = vector.shape_cast %swap3A_257 : vector<16xi32> to vector<16xi32>
    %swap3A_259 = vector.shape_cast %add3A_255 : vector<16xi32> to vector<16xi32>
    tpu.vector_store %arg10[%swap3A_256], %swap3A_259 {strides = array<i32>} : memref<192xi32, #tpu.memory_space<vmem>>, vector<16xi32>,
    %add3A_260 = arith.constant 160 : i32
    %add3A_261 = arith.addi %mul3A_2, %add3A_260 : i32
    %mul3A_262 = arith.constant 8192 : i32
    %mul3A_263 = arith.muli %add3A_261, %mul3A_262 : i32
    %iota3A_264 = tpu.iota {dimensions = array<i32: 0>} : vector<16xi32>
    %mul3A_265 = arith.constant 8192 : i32
    %mul3A_266 = vector.broadcast %mul3A_265 : i32 to vector<16xi32>
    %mul3A_267 = arith.muli %iota3A_264, %mul3A_266 : vector<16xi32>
    %add3A_268 = vector.broadcast %mul3A_263 : i32 to vector<16xi32>
    %add3A_269 = arith.addi %add3A_268, %mul3A_267 : vector<16xi32>
    %get3A_270 = arith.constant 160 : index
    %get3A_271 = tpu.vector_load %arg7[%get3A_270] {strides = array<i32>} : memref<192xi32, #tpu.memory_space<vmem>>, vector<16xi32>,
    %get3A_272 = vector.shape_cast %get3A_271 : vector<16xi32> to vector<16xi32>
    %add3A_273 = arith.addi %add3A_269, %get3A_272 : vector<16xi32>
    %swap3A_274 = arith.constant 160 : index
    %swap3A_275 = tpu.vector_load %arg9[%swap3A_274] {strides = array<i32>} : memref<192xi32, #tpu.memory_space<vmem>>, vector<16xi32>,
    %swap3A_276 = vector.shape_cast %swap3A_275 : vector<16xi32> to vector<16xi32>
    %swap3A_277 = vector.shape_cast %add3A_273 : vector<16xi32> to vector<16xi32>
    tpu.vector_store %arg9[%swap3A_274], %swap3A_277 {strides = array<i32>} : memref<192xi32, #tpu.memory_space<vmem>>, vector<16xi32>,
    %get3A_278 = arith.constant 160 : index
    %get3A_279 = tpu.vector_load %arg8[%get3A_278] {strides = array<i32>} : memref<192xi32, #tpu.memory_space<vmem>>, vector<16xi32>,
    %get3A_280 = vector.shape_cast %get3A_279 : vector<16xi32> to vector<16xi32>
    %add3A_281 = arith.addi %add3A_269, %get3A_280 : vector<16xi32>
    %swap3A_282 = arith.constant 160 : index
    %swap3A_283 = tpu.vector_load %arg10[%swap3A_282] {strides = array<i32>} : memref<192xi32, #tpu.memory_space<vmem>>, vector<16xi32>,
    %swap3A_284 = vector.shape_cast %swap3A_283 : vector<16xi32> to vector<16xi32>
    %swap3A_285 = vector.shape_cast %add3A_281 : vector<16xi32> to vector<16xi32>
    tpu.vector_store %arg10[%swap3A_282], %swap3A_285 {strides = array<i32>} : memref<192xi32, #tpu.memory_space<vmem>>, vector<16xi32>,
    %add3A_286 = arith.constant 176 : i32
    %add3A_287 = arith.addi %mul3A_2, %add3A_286 : i32
    %mul3A_288 = arith.constant 8192 : i32
    %mul3A_289 = arith.muli %add3A_287, %mul3A_288 : i32
    %iota3A_290 = tpu.iota {dimensions = array<i32: 0>} : vector<16xi32>
    %mul3A_291 = arith.constant 8192 : i32
    %mul3A_292 = vector.broadcast %mul3A_291 : i32 to vector<16xi32>
    %mul3A_293 = arith.muli %iota3A_290, %mul3A_292 : vector<16xi32>
    %add3A_294 = vector.broadcast %mul3A_289 : i32 to vector<16xi32>
    %add3A_295 = arith.addi %add3A_294, %mul3A_293 : vector<16xi32>
    %get3A_296 = arith.constant 176 : index
    %get3A_297 = tpu.vector_load %arg7[%get3A_296] {strides = array<i32>} : memref<192xi32, #tpu.memory_space<vmem>>, vector<16xi32>,
    %get3A_298 = vector.shape_cast %get3A_297 : vector<16xi32> to vector<16xi32>
    %add3A_299 = arith.addi %add3A_295, %get3A_298 : vector<16xi32>
    %swap3A_300 = arith.constant 176 : index
    %swap3A_301 = tpu.vector_load %arg9[%swap3A_300] {strides = array<i32>} : memref<192xi32, #tpu.memory_space<vmem>>, vector<16xi32>,
    %swap3A_302 = vector.shape_cast %swap3A_301 : vector<16xi32> to vector<16xi32>
    %swap3A_303 = vector.shape_cast %add3A_299 : vector<16xi32> to vector<16xi32>
    tpu.vector_store %arg9[%swap3A_300], %swap3A_303 {strides = array<i32>} : memref<192xi32, #tpu.memory_space<vmem>>, vector<16xi32>,
    %get3A_304 = arith.constant 176 : index
    %get3A_305 = tpu.vector_load %arg8[%get3A_304] {strides = array<i32>} : memref<192xi32, #tpu.memory_space<vmem>>, vector<16xi32>,
    %get3A_306 = vector.shape_cast %get3A_305 : vector<16xi32> to vector<16xi32>
    %add3A_307 = arith.addi %add3A_295, %get3A_306 : vector<16xi32>
    %swap3A_308 = arith.constant 176 : index
    %swap3A_309 = tpu.vector_load %arg10[%swap3A_308] {strides = array<i32>} : memref<192xi32, #tpu.memory_space<vmem>>, vector<16xi32>,
    %swap3A_310 = vector.shape_cast %swap3A_309 : vector<16xi32> to vector<16xi32>
    %swap3A_311 = vector.shape_cast %add3A_307 : vector<16xi32> to vector<16xi32>
    tpu.vector_store %arg10[%swap3A_308], %swap3A_311 {strides = array<i32>} : memref<192xi32, #tpu.memory_space<vmem>>, vector<16xi32>,
    %dma_start3A = arith.constant 0 : i32
    %dma_start3A_312 = tpu.memref_slice %arg11[%dma_start3A] : memref<192xf32, #tpu.memory_space<vmem>> -> memref<96xf32, #tpu.memory_space<vmem>>
    %dma_start3A_313 = arith.constant 0 : i32
    %dma_start3A_314 = tpu.memref_slice %arg9[%dma_start3A_313] : memref<192xi32, #tpu.memory_space<vmem>> -> memref<96xi32, #tpu.memory_space<vmem>>
    %dma_start3A_315 = arith.constant 0 : i32
    %dma_start3A_316 = tpu.memref_slice %arg2[%dma_start3A_315] : memref<50331648xf32, #tpu.memory_space<hbm>> -> memref<50331648xf32, #tpu.memory_space<hbm>>
    tpu.enqueue_indirect_dma source(%dma_start3A_316 : memref<50331648xf32, #tpu.memory_space<hbm>>) target(%dma_start3A_312 : memref<96xf32, #tpu.memory_space<vmem>>) offsets(%dma_start3A_314 : memref<96xi32, #tpu.memory_space<vmem>>) semaphore(%arg13 : memref<!tpu.dma_semaphore, #tpu.memory_space<semaphore_mem>>)
    %dma_start3A_317 = arith.constant 0 : i32
    %dma_start3A_318 = tpu.memref_slice %arg12[%dma_start3A_317] : memref<192xf32, #tpu.memory_space<vmem>> -> memref<96xf32, #tpu.memory_space<vmem>>
    %dma_start3A_319 = arith.constant 0 : i32
    %dma_start3A_320 = tpu.memref_slice %arg10[%dma_start3A_319] : memref<192xi32, #tpu.memory_space<vmem>> -> memref<96xi32, #tpu.memory_space<vmem>>
    %dma_start3A_321 = arith.constant 0 : i32
    %dma_start3A_322 = tpu.memref_slice %arg2[%dma_start3A_321] : memref<50331648xf32, #tpu.memory_space<hbm>> -> memref<50331648xf32, #tpu.memory_space<hbm>>
    tpu.enqueue_indirect_dma source(%dma_start3A_322 : memref<50331648xf32, #tpu.memory_space<hbm>>) target(%dma_start3A_318 : memref<96xf32, #tpu.memory_space<vmem>>) offsets(%dma_start3A_320 : memref<96xi32, #tpu.memory_space<vmem>>) semaphore(%arg13 : memref<!tpu.dma_semaphore, #tpu.memory_space<semaphore_mem>>)
    %dma_start3A_323 = arith.constant 96 : i32
    %dma_start3A_324 = tpu.memref_slice %arg11[%dma_start3A_323] : memref<192xf32, #tpu.memory_space<vmem>> -> memref<96xf32, #tpu.memory_space<vmem>>
    %dma_start3A_325 = arith.constant 96 : i32
    %dma_start3A_326 = tpu.memref_slice %arg9[%dma_start3A_325] : memref<192xi32, #tpu.memory_space<vmem>> -> memref<96xi32, #tpu.memory_space<vmem>>
    %dma_start3A_327 = arith.constant 0 : i32
    %dma_start3A_328 = tpu.memref_slice %arg2[%dma_start3A_327] : memref<50331648xf32, #tpu.memory_space<hbm>> -> memref<50331648xf32, #tpu.memory_space<hbm>>
    tpu.enqueue_indirect_dma source(%dma_start3A_328 : memref<50331648xf32, #tpu.memory_space<hbm>>) target(%dma_start3A_324 : memref<96xf32, #tpu.memory_space<vmem>>) offsets(%dma_start3A_326 : memref<96xi32, #tpu.memory_space<vmem>>) semaphore(%arg13 : memref<!tpu.dma_semaphore, #tpu.memory_space<semaphore_mem>>)
    %dma_start3A_329 = arith.constant 96 : i32
    %dma_start3A_330 = tpu.memref_slice %arg12[%dma_start3A_329] : memref<192xf32, #tpu.memory_space<vmem>> -> memref<96xf32, #tpu.memory_space<vmem>>
    %dma_start3A_331 = arith.constant 96 : i32
    %dma_start3A_332 = tpu.memref_slice %arg10[%dma_start3A_331] : memref<192xi32, #tpu.memory_space<vmem>> -> memref<96xi32, #tpu.memory_space<vmem>>
    %dma_start3A_333 = arith.constant 0 : i32
    %dma_start3A_334 = tpu.memref_slice %arg2[%dma_start3A_333] : memref<50331648xf32, #tpu.memory_space<hbm>> -> memref<50331648xf32, #tpu.memory_space<hbm>>
    tpu.enqueue_indirect_dma source(%dma_start3A_334 : memref<50331648xf32, #tpu.memory_space<hbm>>) target(%dma_start3A_330 : memref<96xf32, #tpu.memory_space<vmem>>) offsets(%dma_start3A_332 : memref<96xi32, #tpu.memory_space<vmem>>) semaphore(%arg13 : memref<!tpu.dma_semaphore, #tpu.memory_space<semaphore_mem>>)
    %dma_wait3A = arith.constant 0 : i32
    %dma_wait3A_335 = tpu.memref_slice %arg11[%dma_wait3A] : memref<192xf32, #tpu.memory_space<vmem>> -> memref<96xf32, #tpu.memory_space<vmem>>
    %dma_wait3A_336 = arith.constant 0 : i32
    %dma_wait3A_337 = tpu.memref_slice %arg9[%dma_wait3A_336] : memref<192xi32, #tpu.memory_space<vmem>> -> memref<96xi32, #tpu.memory_space<vmem>>
    %dma_wait3A_338 = arith.constant 0 : i32
    %dma_wait3A_339 = tpu.memref_slice %arg2[%dma_wait3A_338] : memref<50331648xf32, #tpu.memory_space<hbm>> -> memref<50331648xf32, #tpu.memory_space<hbm>>
    tpu.wait_indirect_dma semaphore(%arg13 : memref<!tpu.dma_semaphore, #tpu.memory_space<semaphore_mem>>) src(%dma_wait3A_339 : memref<50331648xf32, #tpu.memory_space<hbm>>) dst(%dma_wait3A_335 : memref<96xf32, #tpu.memory_space<vmem>>)
    %dma_wait3A_340 = arith.constant 0 : i32
    %dma_wait3A_341 = tpu.memref_slice %arg12[%dma_wait3A_340] : memref<192xf32, #tpu.memory_space<vmem>> -> memref<96xf32, #tpu.memory_space<vmem>>
    %dma_wait3A_342 = arith.constant 0 : i32
    %dma_wait3A_343 = tpu.memref_slice %arg10[%dma_wait3A_342] : memref<192xi32, #tpu.memory_space<vmem>> -> memref<96xi32, #tpu.memory_space<vmem>>
    %dma_wait3A_344 = arith.constant 0 : i32
    %dma_wait3A_345 = tpu.memref_slice %arg2[%dma_wait3A_344] : memref<50331648xf32, #tpu.memory_space<hbm>> -> memref<50331648xf32, #tpu.memory_space<hbm>>
    tpu.wait_indirect_dma semaphore(%arg13 : memref<!tpu.dma_semaphore, #tpu.memory_space<semaphore_mem>>) src(%dma_wait3A_345 : memref<50331648xf32, #tpu.memory_space<hbm>>) dst(%dma_wait3A_341 : memref<96xf32, #tpu.memory_space<vmem>>)
    %dma_wait3A_346 = arith.constant 96 : i32
    %dma_wait3A_347 = tpu.memref_slice %arg11[%dma_wait3A_346] : memref<192xf32, #tpu.memory_space<vmem>> -> memref<96xf32, #tpu.memory_space<vmem>>
    %dma_wait3A_348 = arith.constant 96 : i32
    %dma_wait3A_349 = tpu.memref_slice %arg9[%dma_wait3A_348] : memref<192xi32, #tpu.memory_space<vmem>> -> memref<96xi32, #tpu.memory_space<vmem>>
    %dma_wait3A_350 = arith.constant 0 : i32
    %dma_wait3A_351 = tpu.memref_slice %arg2[%dma_wait3A_350] : memref<50331648xf32, #tpu.memory_space<hbm>> -> memref<50331648xf32, #tpu.memory_space<hbm>>
    tpu.wait_indirect_dma semaphore(%arg13 : memref<!tpu.dma_semaphore, #tpu.memory_space<semaphore_mem>>) src(%dma_wait3A_351 : memref<50331648xf32, #tpu.memory_space<hbm>>) dst(%dma_wait3A_347 : memref<96xf32, #tpu.memory_space<vmem>>)
    %dma_wait3A_352 = arith.constant 96 : i32
    %dma_wait3A_353 = tpu.memref_slice %arg12[%dma_wait3A_352] : memref<192xf32, #tpu.memory_space<vmem>> -> memref<96xf32, #tpu.memory_space<vmem>>
    %dma_wait3A_354 = arith.constant 96 : i32
    %dma_wait3A_355 = tpu.memref_slice %arg10[%dma_wait3A_354] : memref<192xi32, #tpu.memory_space<vmem>> -> memref<96xi32, #tpu.memory_space<vmem>>
    %dma_wait3A_356 = arith.constant 0 : i32
    %dma_wait3A_357 = tpu.memref_slice %arg2[%dma_wait3A_356] : memref<50331648xf32, #tpu.memory_space<hbm>> -> memref<50331648xf32, #tpu.memory_space<hbm>>
    tpu.wait_indirect_dma semaphore(%arg13 : memref<!tpu.dma_semaphore, #tpu.memory_space<semaphore_mem>>) src(%dma_wait3A_357 : memref<50331648xf32, #tpu.memory_space<hbm>>) dst(%dma_wait3A_353 : memref<96xf32, #tpu.memory_space<vmem>>)
    "tpu.region"() ({
      %run_scoped3A = tpu.sem_alloc : memref<!tpu.dma_semaphore, #tpu.memory_space<semaphore_mem>>
      %dma_start3A_358 = tpu.memref_slice %arg5[%mul3A_2] : memref<6144xf32, #tpu.memory_space<hbm>> -> memref<192xf32, #tpu.memory_space<hbm>>
      %dma_start3A_359 = tpu.memref_slice %arg5[%mul3A_2] : memref<6144xf32, #tpu.memory_space<hbm>> -> memref<192xf32, #tpu.memory_space<hbm>>
      tpu.enqueue_dma source(%arg11 : memref<192xf32, #tpu.memory_space<vmem>>) target(%dma_start3A_359 : memref<192xf32, #tpu.memory_space<hbm>>) target_semaphore(%run_scoped3A : memref<!tpu.dma_semaphore, #tpu.memory_space<semaphore_mem>>)
      %dma_wait3A_360 = tpu.memref_slice %arg5[%mul3A_2] : memref<6144xf32, #tpu.memory_space<hbm>> -> memref<192xf32, #tpu.memory_space<hbm>>
      %dma_wait3A_361 = tpu.memref_slice %arg5[%mul3A_2] : memref<6144xf32, #tpu.memory_space<hbm>> -> memref<192xf32, #tpu.memory_space<hbm>>
      tpu.wait_dma2 semaphore(%run_scoped3A : memref<!tpu.dma_semaphore, #tpu.memory_space<semaphore_mem>>) src(%arg11 : memref<192xf32, #tpu.memory_space<vmem>>) dst(%dma_wait3A_361 : memref<192xf32, #tpu.memory_space<hbm>>)
      tpu.yield
    }) : () -> ()
    "tpu.region"() ({
      %run_scoped3A = tpu.sem_alloc : memref<!tpu.dma_semaphore, #tpu.memory_space<semaphore_mem>>
      %dma_start3A_358 = tpu.memref_slice %arg6[%mul3A_2] : memref<6144xf32, #tpu.memory_space<hbm>> -> memref<192xf32, #tpu.memory_space<hbm>>
      %dma_start3A_359 = tpu.memref_slice %arg6[%mul3A_2] : memref<6144xf32, #tpu.memory_space<hbm>> -> memref<192xf32, #tpu.memory_space<hbm>>
      tpu.enqueue_dma source(%arg12 : memref<192xf32, #tpu.memory_space<vmem>>) target(%dma_start3A_359 : memref<192xf32, #tpu.memory_space<hbm>>) target_semaphore(%run_scoped3A : memref<!tpu.dma_semaphore, #tpu.memory_space<semaphore_mem>>)
      %dma_wait3A_360 = tpu.memref_slice %arg6[%mul3A_2] : memref<6144xf32, #tpu.memory_space<hbm>> -> memref<192xf32, #tpu.memory_space<hbm>>
      %dma_wait3A_361 = tpu.memref_slice %arg6[%mul3A_2] : memref<6144xf32, #tpu.memory_space<hbm>> -> memref<192xf32, #tpu.memory_space<hbm>>
      tpu.wait_dma2 semaphore(%run_scoped3A : memref<!tpu.dma_semaphore, #tpu.memory_space<semaphore_mem>>) src(%arg12 : memref<192xf32, #tpu.memory_space<vmem>>) dst(%dma_wait3A_361 : memref<192xf32, #tpu.memory_space<hbm>>)
      tpu.yield
    }) : () -> ()
    return
  }
}

module attributes {stable_mosaic.version = 14 : i64} {
  func.func @_reduce_body(%arg0: i32, %arg1: memref<32x8192xf32, #tpu.memory_space<vmem>>, %arg2: memref<32x1xf32, #tpu.memory_space<vmem>>, %arg3: memref<32x1xf32, #tpu.memory_space<vmem>>) attributes {dimension_semantics = [#tpu.dimension_semantics<arbitrary>], iteration_bounds = array<i64: 192>, scalar_prefetch = 0 : i64, scratch_operands = 0 : i64, tpu.core_type = #tpu.core_type<tc>, window_params = [{transform_indices = @transform_0, window_bounds = array<i64: 32, 8192>}, {transform_indices = @transform_1, window_bounds = array<i64: 32, 1>}, {transform_indices = @transform_2, window_bounds = array<i64: 32, 1>}]} {
    %get3A = arith.constant 0 : index
    %get3A_0 = arith.constant 0 : index
    %get3A_1 = vector.load %arg1[%get3A, %get3A_0] : memref<32x8192xf32, #tpu.memory_space<vmem>>, vector<32x8192xf32>
    %reduce_max3A = arith.constant dense<0xFF800000> : vector<32xf32>
    %reduce_max3A_2 = vector.multi_reduction <maximumf>, %get3A_1, %reduce_max3A [1] : vector<32x8192xf32> to vector<32xf32>
    %broadcast_in_dim3A = vector.shape_cast %reduce_max3A_2 : vector<32xf32> to vector<32x1xf32>
    %sub3A = vector.broadcast %broadcast_in_dim3A : vector<32x1xf32> to vector<32x8192xf32>
    %sub3A_3 = arith.subf %get3A_1, %sub3A : vector<32x8192xf32>
    %exp3A = math.exp %sub3A_3 : vector<32x8192xf32>
    %reduce_sum3A = arith.constant dense<0.000000e+00> : vector<32xf32>
    %reduce_sum3A_4 = vector.multi_reduction <add>, %exp3A, %reduce_sum3A [1] : vector<32x8192xf32> to vector<32xf32>
    %broadcast_in_dim3A_5 = vector.shape_cast %reduce_sum3A_4 : vector<32xf32> to vector<32x1xf32>
    %swap3A = arith.constant 0 : index
    %swap3A_6 = arith.constant 0 : index
    %swap3A_7 = vector.load %arg2[%swap3A, %swap3A_6] : memref<32x1xf32, #tpu.memory_space<vmem>>, vector<32x1xf32>
    tpu.vector_store %arg2[%swap3A, %swap3A_6], %broadcast_in_dim3A {strides = array<i32>} : memref<32x1xf32, #tpu.memory_space<vmem>>, vector<32x1xf32>,
    %swap3A_8 = arith.constant 0 : index
    %swap3A_9 = arith.constant 0 : index
    %swap3A_10 = vector.load %arg3[%swap3A_8, %swap3A_9] : memref<32x1xf32, #tpu.memory_space<vmem>>, vector<32x1xf32>
    tpu.vector_store %arg3[%swap3A_8, %swap3A_9], %broadcast_in_dim3A_5 {strides = array<i32>} : memref<32x1xf32, #tpu.memory_space<vmem>>, vector<32x1xf32>,
    return
  }
  func.func @transform_0(%arg0: i32) -> (i32, i32) {
    %c0_i32 = arith.constant 0 : i32
    %c0_i32_0 = arith.constant 0 : i32
    return %arg0, %c0_i32 : i32, i32
  }
  func.func @transform_1(%arg0: i32) -> (i32, i32) {
    %c0_i32 = arith.constant 0 : i32
    %c0_i32_0 = arith.constant 0 : i32
    return %arg0, %c0_i32 : i32, i32
  }
  func.func @transform_2(%arg0: i32) -> (i32, i32) {
    %c0_i32 = arith.constant 0 : i32
    %c0_i32_0 = arith.constant 0 : i32
    return %arg0, %c0_i32 : i32, i32
  }
}

module attributes {stable_mosaic.version = 14 : i64} {
  func.func @_finish_body(%arg0: memref<32x192xf32, #tpu.memory_space<vmem>>, %arg1: memref<32x192xf32, #tpu.memory_space<vmem>>, %arg2: memref<32x192xf32, #tpu.memory_space<vmem>>, %arg3: memref<32x192xf32, #tpu.memory_space<vmem>>, %arg4: memref<32x192xi32, #tpu.memory_space<vmem>>, %arg5: memref<32x192xi32, #tpu.memory_space<vmem>>, %arg6: memref<32x192xi32, #tpu.memory_space<vmem>>, %arg7: memref<1x1xf32, #tpu.memory_space<smem>>, %arg8: memref<1x1xf32, #tpu.memory_space<smem>>, %arg9: memref<32x192xf32, #tpu.memory_space<vmem>>, %arg10: memref<32x192xi32, #tpu.memory_space<vmem>>, %arg11: memref<32x192xi32, #tpu.memory_space<vmem>>, %arg12: memref<1x32xf32, #tpu.memory_space<smem>>) attributes {dimension_semantics = [], scalar_prefetch = 0 : i64, scratch_operands = 0 : i64, tpu.core_type = #tpu.core_type<tc>} {
    %get3A = arith.constant 0 : index
    %get3A_0 = arith.constant 0 : index
    %get3A_1 = vector.load %arg0[%get3A, %get3A_0] : memref<32x192xf32, #tpu.memory_space<vmem>>, vector<32x192xf32>
    %get3A_2 = arith.constant 0 : index
    %get3A_3 = arith.constant 0 : index
    %get3A_4 = vector.load %arg1[%get3A_2, %get3A_3] : memref<32x192xf32, #tpu.memory_space<vmem>>, vector<32x192xf32>
    %get3A_5 = arith.constant 0 : index
    %get3A_6 = arith.constant 0 : index
    %get3A_7 = vector.load %arg2[%get3A_5, %get3A_6] : memref<32x192xf32, #tpu.memory_space<vmem>>, vector<32x192xf32>
    %get3A_8 = arith.constant 0 : index
    %get3A_9 = arith.constant 0 : index
    %get3A_10 = vector.load %arg3[%get3A_8, %get3A_9] : memref<32x192xf32, #tpu.memory_space<vmem>>, vector<32x192xf32>
    %get3A_11 = arith.constant 0 : index
    %get3A_12 = arith.constant 0 : index
    %get3A_13 = vector.load %arg4[%get3A_11, %get3A_12] : memref<32x192xi32, #tpu.memory_space<vmem>>, vector<32x192xi32>
    %get3A_14 = arith.constant 0 : index
    %get3A_15 = arith.constant 0 : index
    %get3A_16 = vector.load %arg5[%get3A_14, %get3A_15] : memref<32x192xi32, #tpu.memory_space<vmem>>, vector<32x192xi32>
    %get3A_17 = arith.constant 0 : index
    %get3A_18 = arith.constant 0 : index
    %get3A_19 = vector.load %arg6[%get3A_17, %get3A_18] : memref<32x192xi32, #tpu.memory_space<vmem>>, vector<32x192xi32>
    %ne3A = arith.constant 0 : i32
    %ne3A_20 = vector.broadcast %ne3A : i32 to vector<32x192xi32>
    %ne3A_21 = arith.cmpi ne, %get3A_19, %ne3A_20 : vector<32x192xi32>
    %get3A_22 = arith.constant 0 : index
    %get3A_23 = arith.constant 0 : index
    %get3A_24 = memref.load %arg7[%get3A_22, %get3A_23] : memref<1x1xf32, #tpu.memory_space<smem>>
    %get3A_25 = arith.constant 0 : index
    %get3A_26 = arith.constant 0 : index
    %get3A_27 = memref.load %arg8[%get3A_25, %get3A_26] : memref<1x1xf32, #tpu.memory_space<smem>>
    %broadcast_in_dim3A = arith.constant 1.000000e+00 : f32
    %broadcast_in_dim3A_28 = vector.broadcast %broadcast_in_dim3A : f32 to vector<32x192xf32>
    %broadcast_in_dim3A_29 = arith.constant 0.000000e+00 : f32
    %broadcast_in_dim3A_30 = vector.broadcast %broadcast_in_dim3A_29 : f32 to vector<32x192xf32>
    %log3A = math.log %get3A_4 : vector<32x192xf32>
    %add3A = arith.addf %get3A_1, %log3A : vector<32x192xf32>
    %sub3A = arith.subf %add3A, %get3A_7 : vector<32x192xf32>
    %select_n3A = arith.select %ne3A_21, %sub3A, %broadcast_in_dim3A_30 : vector<32x192xi1>, vector<32x192xf32>
    %reduce_sum3A = vector.shape_cast %select_n3A : vector<32x192xf32> to vector<1x32x192xf32>
    %reduce_sum3A_31 = arith.constant dense<0.000000e+00> : vector<1xf32>
    %reduce_sum3A_32 = vector.multi_reduction <add>, %reduce_sum3A, %reduce_sum3A_31 [1, 2] : vector<1x32x192xf32> to vector<1xf32>
    %reduce_sum3A_33 = vector.shape_cast %reduce_sum3A_32 : vector<1xf32> to vector<1x1x1xf32>
    %reduce_sum3A_34 = vector.extract %reduce_sum3A_33[0, 0, 0] : f32 from vector<1x1x1xf32>
    %eq3A = arith.cmpf oeq, %get3A_7, %get3A_1 : vector<32x192xf32>
    %and3A = arith.andi %ne3A_21, %eq3A : vector<32x192xi1>
    %select_n3A_35 = arith.select %and3A, %broadcast_in_dim3A_28, %broadcast_in_dim3A_30 : vector<32x192xi1>, vector<32x192xf32>
    %reduce_sum3A_36 = vector.shape_cast %select_n3A_35 : vector<32x192xf32> to vector<1x32x192xf32>
    %reduce_sum3A_37 = arith.constant dense<0.000000e+00> : vector<1xf32>
    %reduce_sum3A_38 = vector.multi_reduction <add>, %reduce_sum3A_36, %reduce_sum3A_37 [1, 2] : vector<1x32x192xf32> to vector<1xf32>
    %reduce_sum3A_39 = vector.shape_cast %reduce_sum3A_38 : vector<1xf32> to vector<1x1x1xf32>
    %reduce_sum3A_40 = vector.extract %reduce_sum3A_39[0, 0, 0] : f32 from vector<1x1x1xf32>
    %iota3A = tpu.iota {dimensions = array<i32: 1>} : vector<32x192xi32>
    %ge3A = arith.constant 1 : i32
    %ge3A_41 = vector.broadcast %ge3A : i32 to vector<32x192xi32>
    %ge3A_42 = arith.cmpi sge, %iota3A, %ge3A_41 : vector<32x192xi32>
    %le3A = arith.constant 190 : i32
    %le3A_43 = vector.broadcast %le3A : i32 to vector<32x192xi32>
    %le3A_44 = arith.cmpi sle, %iota3A, %le3A_43 : vector<32x192xi32>
    %and3A_45 = arith.andi %ge3A_42, %le3A_44 : vector<32x192xi1>
    %sub3A_46 = arith.subf %get3A_1, %get3A_10 : vector<32x192xf32>
    %exp3A = math.exp %sub3A_46 : vector<32x192xf32>
    %gt3A = vector.broadcast %get3A_27 : f32 to vector<32x192xf32>
    %gt3A_47 = arith.cmpf ogt, %exp3A, %gt3A : vector<32x192xf32>
    %lt3A = vector.broadcast %get3A_24 : f32 to vector<32x192xf32>
    %lt3A_48 = arith.cmpf olt, %exp3A, %lt3A : vector<32x192xf32>
    %not3A = arith.constant dense<true> : vector<32x192xi1>
    %not3A_49 = arith.xori %gt3A_47, %not3A : vector<32x192xi1>
    %and3A_50 = arith.andi %lt3A_48, %not3A_49 : vector<32x192xi1>
    %gt3A_51 = arith.constant 670 : i32
    %gt3A_52 = vector.broadcast %gt3A_51 : i32 to vector<32x192xi32>
    %gt3A_53 = arith.cmpi sgt, %get3A_16, %gt3A_52 : vector<32x192xi32>
    %lt3A_54 = arith.constant 7992 : i32
    %lt3A_55 = vector.broadcast %lt3A_54 : i32 to vector<32x192xi32>
    %lt3A_56 = arith.cmpi slt, %get3A_16, %lt3A_55 : vector<32x192xi32>
    %and3A_57 = arith.andi %gt3A_53, %lt3A_56 : vector<32x192xi1>
    %not3A_58 = arith.constant dense<true> : vector<32x192xi1>
    %not3A_59 = arith.xori %and3A_57, %not3A_58 : vector<32x192xi1>
    %or3A = arith.ori %and3A_50, %not3A_59 : vector<32x192xi1>
    %not3A_60 = arith.constant dense<true> : vector<32x192xi1>
    %not3A_61 = arith.xori %gt3A_47, %not3A_60 : vector<32x192xi1>
    %not3A_62 = arith.constant dense<true> : vector<32x192xi1>
    %not3A_63 = arith.xori %and3A_57, %not3A_62 : vector<32x192xi1>
    %or3A_64 = arith.ori %not3A_61, %not3A_63 : vector<32x192xi1>
    %select_n3A_65 = arith.select %or3A, %broadcast_in_dim3A_28, %exp3A : vector<32x192xi1>, vector<32x192xf32>
    %swap3A = arith.constant 0 : index
    %swap3A_66 = arith.constant 0 : index
    %swap3A_67 = vector.load %arg9[%swap3A, %swap3A_66] : memref<32x192xf32, #tpu.memory_space<vmem>>, vector<32x192xf32>
    tpu.vector_store %arg9[%swap3A, %swap3A_66], %select_n3A_65 {strides = array<i32>} : memref<32x192xf32, #tpu.memory_space<vmem>>, vector<32x192xf32>,
    %convert_element_type3A = arith.extui %or3A_64 : vector<32x192xi1> to vector<32x192xi32>
    %swap3A_68 = arith.constant 0 : index
    %swap3A_69 = arith.constant 0 : index
    %swap3A_70 = vector.load %arg10[%swap3A_68, %swap3A_69] : memref<32x192xi32, #tpu.memory_space<vmem>>, vector<32x192xi32>
    tpu.vector_store %arg10[%swap3A_68, %swap3A_69], %convert_element_type3A {strides = array<i32>} : memref<32x192xi32, #tpu.memory_space<vmem>>, vector<32x192xi32>,
    %convert_element_type3A_71 = arith.extui %or3A : vector<32x192xi1> to vector<32x192xi32>
    %swap3A_72 = arith.constant 0 : index
    %swap3A_73 = arith.constant 0 : index
    %swap3A_74 = vector.load %arg11[%swap3A_72, %swap3A_73] : memref<32x192xi32, #tpu.memory_space<vmem>>, vector<32x192xi32>
    tpu.vector_store %arg11[%swap3A_72, %swap3A_73], %convert_element_type3A_71 {strides = array<i32>} : memref<32x192xi32, #tpu.memory_space<vmem>>, vector<32x192xi32>,
    %eq3A_75 = arith.cmpi eq, %get3A_16, %get3A_13 : vector<32x192xi32>
    %or3A_76 = arith.ori %or3A, %eq3A : vector<32x192xi1>
    %not3A_77 = arith.constant dense<true> : vector<32x192xi1>
    %not3A_78 = arith.xori %eq3A_75, %not3A_77 : vector<32x192xi1>
    %not3A_79 = arith.constant dense<true> : vector<32x192xi1>
    %not3A_80 = arith.xori %or3A, %not3A_79 : vector<32x192xi1>
    %and3A_81 = arith.andi %not3A_78, %not3A_80 : vector<32x192xi1>
    %not3A_82 = arith.constant dense<true> : vector<32x192xi1>
    %not3A_83 = arith.xori %eq3A_75, %not3A_82 : vector<32x192xi1>
    %and3A_84 = arith.andi %not3A_83, %or3A : vector<32x192xi1>
    %not3A_85 = arith.constant dense<true> : vector<32x192xi1>
    %not3A_86 = arith.xori %or3A, %not3A_85 : vector<32x192xi1>
    %and3A_87 = arith.andi %eq3A_75, %not3A_86 : vector<32x192xi1>
    %and3A_88 = arith.andi %and3A_81, %and3A_45 : vector<32x192xi1>
    %select_n3A_89 = arith.select %and3A_88, %broadcast_in_dim3A_28, %broadcast_in_dim3A_30 : vector<32x192xi1>, vector<32x192xf32>
    %reduce_sum3A_90 = vector.shape_cast %select_n3A_89 : vector<32x192xf32> to vector<1x32x192xf32>
    %reduce_sum3A_91 = arith.constant dense<0.000000e+00> : vector<1xf32>
    %reduce_sum3A_92 = vector.multi_reduction <add>, %reduce_sum3A_90, %reduce_sum3A_91 [1, 2] : vector<1x32x192xf32> to vector<1xf32>
    %reduce_sum3A_93 = vector.shape_cast %reduce_sum3A_92 : vector<1xf32> to vector<1x1x1xf32>
    %reduce_sum3A_94 = vector.extract %reduce_sum3A_93[0, 0, 0] : f32 from vector<1x1x1xf32>
    %and3A_95 = arith.andi %and3A_84, %and3A_45 : vector<32x192xi1>
    %select_n3A_96 = arith.select %and3A_95, %broadcast_in_dim3A_28, %broadcast_in_dim3A_30 : vector<32x192xi1>, vector<32x192xf32>
    %reduce_sum3A_97 = vector.shape_cast %select_n3A_96 : vector<32x192xf32> to vector<1x32x192xf32>
    %reduce_sum3A_98 = arith.constant dense<0.000000e+00> : vector<1xf32>
    %reduce_sum3A_99 = vector.multi_reduction <add>, %reduce_sum3A_97, %reduce_sum3A_98 [1, 2] : vector<1x32x192xf32> to vector<1xf32>
    %reduce_sum3A_100 = vector.shape_cast %reduce_sum3A_99 : vector<1xf32> to vector<1x1x1xf32>
    %reduce_sum3A_101 = vector.extract %reduce_sum3A_100[0, 0, 0] : f32 from vector<1x1x1xf32>
    %and3A_102 = arith.andi %and3A_87, %and3A_45 : vector<32x192xi1>
    %select_n3A_103 = arith.select %and3A_102, %broadcast_in_dim3A_28, %broadcast_in_dim3A_30 : vector<32x192xi1>, vector<32x192xf32>
    %reduce_sum3A_104 = vector.shape_cast %select_n3A_103 : vector<32x192xf32> to vector<1x32x192xf32>
    %reduce_sum3A_105 = arith.constant dense<0.000000e+00> : vector<1xf32>
    %reduce_sum3A_106 = vector.multi_reduction <add>, %reduce_sum3A_104, %reduce_sum3A_105 [1, 2] : vector<1x32x192xf32> to vector<1xf32>
    %reduce_sum3A_107 = vector.shape_cast %reduce_sum3A_106 : vector<1xf32> to vector<1x1x1xf32>
    %reduce_sum3A_108 = vector.extract %reduce_sum3A_107[0, 0, 0] : f32 from vector<1x1x1xf32>
    %and3A_109 = arith.andi %and3A_81, %or3A_76 : vector<32x192xi1>
    %not3A_110 = arith.constant dense<true> : vector<32x192xi1>
    %not3A_111 = arith.xori %or3A_76, %not3A_110 : vector<32x192xi1>
    %and3A_112 = arith.andi %and3A_81, %not3A_111 : vector<32x192xi1>
    %or3A_113 = arith.ori %and3A_84, %and3A_112 : vector<32x192xi1>
    %and3A_114 = arith.andi %and3A_109, %and3A_45 : vector<32x192xi1>
    %select_n3A_115 = arith.select %and3A_114, %broadcast_in_dim3A_28, %broadcast_in_dim3A_30 : vector<32x192xi1>, vector<32x192xf32>
    %reduce_sum3A_116 = vector.shape_cast %select_n3A_115 : vector<32x192xf32> to vector<1x32x192xf32>
    %reduce_sum3A_117 = arith.constant dense<0.000000e+00> : vector<1xf32>
    %reduce_sum3A_118 = vector.multi_reduction <add>, %reduce_sum3A_116, %reduce_sum3A_117 [1, 2] : vector<1x32x192xf32> to vector<1xf32>
    %reduce_sum3A_119 = vector.shape_cast %reduce_sum3A_118 : vector<1xf32> to vector<1x1x1xf32>
    %reduce_sum3A_120 = vector.extract %reduce_sum3A_119[0, 0, 0] : f32 from vector<1x1x1xf32>
    %and3A_121 = arith.andi %or3A_113, %and3A_45 : vector<32x192xi1>
    %select_n3A_122 = arith.select %and3A_121, %broadcast_in_dim3A_28, %broadcast_in_dim3A_30 : vector<32x192xi1>, vector<32x192xf32>
    %reduce_sum3A_123 = vector.shape_cast %select_n3A_122 : vector<32x192xf32> to vector<1x32x192xf32>
    %reduce_sum3A_124 = arith.constant dense<0.000000e+00> : vector<1xf32>
    %reduce_sum3A_125 = vector.multi_reduction <add>, %reduce_sum3A_123, %reduce_sum3A_124 [1, 2] : vector<1x32x192xf32> to vector<1xf32>
    %reduce_sum3A_126 = vector.shape_cast %reduce_sum3A_125 : vector<1xf32> to vector<1x1x1xf32>
    %reduce_sum3A_127 = vector.extract %reduce_sum3A_126[0, 0, 0] : f32 from vector<1x1x1xf32>
    %broadcast_in_dim3A_128 = arith.constant 1 : i32
    %broadcast_in_dim3A_129 = vector.broadcast %broadcast_in_dim3A_128 : i32 to vector<32x192xi32>
    %broadcast_in_dim3A_130 = arith.constant 0 : i32
    %broadcast_in_dim3A_131 = vector.broadcast %broadcast_in_dim3A_130 : i32 to vector<32x192xi32>
    %not3A_132 = arith.constant dense<true> : vector<32x192xi1>
    %not3A_133 = arith.xori %eq3A_75, %not3A_132 : vector<32x192xi1>
    %and3A_134 = arith.andi %and3A_45, %not3A_133 : vector<32x192xi1>
    %select_n3A_135 = arith.select %and3A_134, %broadcast_in_dim3A_129, %broadcast_in_dim3A_131 : vector<32x192xi1>, vector<32x192xi32>
    %reduce_sum3A_136 = arith.constant dense<0> : vector<32xi32>
    %reduce_sum3A_137 = vector.multi_reduction <add>, %select_n3A_135, %reduce_sum3A_136 [1] : vector<32x192xi32> to vector<32xi32>
    %broadcast_in_dim3A_138 = vector.shape_cast %reduce_sum3A_137 : vector<32xi32> to vector<32x1xi32>
    %ne3A_139 = arith.xori %eq3A_75, %or3A : vector<32x192xi1>
    %and3A_140 = arith.andi %and3A_45, %ne3A_139 : vector<32x192xi1>
    %select_n3A_141 = arith.select %and3A_140, %broadcast_in_dim3A_129, %broadcast_in_dim3A_131 : vector<32x192xi1>, vector<32x192xi32>
    %reduce_sum3A_142 = arith.constant dense<0> : vector<32xi32>
    %reduce_sum3A_143 = vector.multi_reduction <add>, %select_n3A_141, %reduce_sum3A_142 [1] : vector<32x192xi32> to vector<32xi32>
    %broadcast_in_dim3A_144 = vector.shape_cast %reduce_sum3A_143 : vector<32xi32> to vector<32x1xi32>
    %not3A_145 = arith.constant dense<true> : vector<32x192xi1>
    %not3A_146 = arith.xori %or3A_76, %not3A_145 : vector<32x192xi1>
    %and3A_147 = arith.andi %and3A_45, %not3A_146 : vector<32x192xi1>
    %select_n3A_148 = arith.select %and3A_147, %broadcast_in_dim3A_129, %broadcast_in_dim3A_131 : vector<32x192xi1>, vector<32x192xi32>
    %reduce_sum3A_149 = arith.constant dense<0> : vector<32xi32>
    %reduce_sum3A_150 = vector.multi_reduction <add>, %select_n3A_148, %reduce_sum3A_149 [1] : vector<32x192xi32> to vector<32xi32>
    %broadcast_in_dim3A_151 = vector.shape_cast %reduce_sum3A_150 : vector<32xi32> to vector<32x1xi32>
    %eq3A_152 = arith.constant 0 : i32
    %eq3A_153 = vector.broadcast %eq3A_152 : i32 to vector<32x1xi32>
    %eq3A_154 = arith.cmpi eq, %broadcast_in_dim3A_151, %eq3A_153 : vector<32x1xi32>
    %broadcast_in_dim3A_155 = arith.constant 1.000000e+00 : f32
    %broadcast_in_dim3A_156 = vector.broadcast %broadcast_in_dim3A_155 : f32 to vector<32x1xf32>
    %broadcast_in_dim3A_157 = arith.constant 0.000000e+00 : f32
    %broadcast_in_dim3A_158 = vector.broadcast %broadcast_in_dim3A_157 : f32 to vector<32x1xf32>
    %gt3A_159 = arith.constant 0 : i32
    %gt3A_160 = vector.broadcast %gt3A_159 : i32 to vector<32x1xi32>
    %gt3A_161 = arith.cmpi sgt, %broadcast_in_dim3A_138, %gt3A_160 : vector<32x1xi32>
    %eq3A_162 = arith.constant 0 : i32
    %eq3A_163 = vector.broadcast %eq3A_162 : i32 to vector<32x1xi32>
    %eq3A_164 = arith.cmpi eq, %broadcast_in_dim3A_144, %eq3A_163 : vector<32x1xi32>
    %and3A_165 = arith.andi %gt3A_161, %eq3A_164 : vector<32x1xi1>
    %gt3A_166 = arith.constant 0 : i32
    %gt3A_167 = vector.broadcast %gt3A_166 : i32 to vector<32x1xi32>
    %gt3A_168 = arith.cmpi sgt, %broadcast_in_dim3A_138, %gt3A_167 : vector<32x1xi32>
    %gt3A_169 = arith.constant 0 : i32
    %gt3A_170 = vector.broadcast %gt3A_169 : i32 to vector<32x1xi32>
    %gt3A_171 = arith.cmpi sgt, %broadcast_in_dim3A_144, %gt3A_170 : vector<32x1xi32>
    %and3A_172 = arith.andi %gt3A_168, %gt3A_171 : vector<32x1xi1>
    %eq3A_173 = arith.constant 0 : i32
    %eq3A_174 = vector.broadcast %eq3A_173 : i32 to vector<32x1xi32>
    %eq3A_175 = arith.cmpi eq, %broadcast_in_dim3A_138, %eq3A_174 : vector<32x1xi32>
    %gt3A_176 = arith.constant 0 : i32
    %gt3A_177 = vector.broadcast %gt3A_176 : i32 to vector<32x1xi32>
    %gt3A_178 = arith.cmpi sgt, %broadcast_in_dim3A_144, %gt3A_177 : vector<32x1xi32>
    %and3A_179 = arith.andi %eq3A_175, %gt3A_178 : vector<32x1xi1>
    %select_n3A_180 = arith.select %and3A_165, %broadcast_in_dim3A_156, %broadcast_in_dim3A_158 : vector<32x1xi1>, vector<32x1xf32>
    %reduce_sum3A_181 = vector.shape_cast %select_n3A_180 : vector<32x1xf32> to vector<1x32x1xf32>
    %reduce_sum3A_182 = arith.constant dense<0.000000e+00> : vector<1xf32>
    %reduce_sum3A_183 = vector.multi_reduction <add>, %reduce_sum3A_181, %reduce_sum3A_182 [1, 2] : vector<1x32x1xf32> to vector<1xf32>
    %reduce_sum3A_184 = vector.shape_cast %reduce_sum3A_183 : vector<1xf32> to vector<1x1x1xf32>
    %reduce_sum3A_185 = vector.extract %reduce_sum3A_184[0, 0, 0] : f32 from vector<1x1x1xf32>
    %select_n3A_186 = arith.select %and3A_172, %broadcast_in_dim3A_156, %broadcast_in_dim3A_158 : vector<32x1xi1>, vector<32x1xf32>
    %reduce_sum3A_187 = vector.shape_cast %select_n3A_186 : vector<32x1xf32> to vector<1x32x1xf32>
    %reduce_sum3A_188 = arith.constant dense<0.000000e+00> : vector<1xf32>
    %reduce_sum3A_189 = vector.multi_reduction <add>, %reduce_sum3A_187, %reduce_sum3A_188 [1, 2] : vector<1x32x1xf32> to vector<1xf32>
    %reduce_sum3A_190 = vector.shape_cast %reduce_sum3A_189 : vector<1xf32> to vector<1x1x1xf32>
    %reduce_sum3A_191 = vector.extract %reduce_sum3A_190[0, 0, 0] : f32 from vector<1x1x1xf32>
    %select_n3A_192 = arith.select %and3A_179, %broadcast_in_dim3A_156, %broadcast_in_dim3A_158 : vector<32x1xi1>, vector<32x1xf32>
    %reduce_sum3A_193 = vector.shape_cast %select_n3A_192 : vector<32x1xf32> to vector<1x32x1xf32>
    %reduce_sum3A_194 = arith.constant dense<0.000000e+00> : vector<1xf32>
    %reduce_sum3A_195 = vector.multi_reduction <add>, %reduce_sum3A_193, %reduce_sum3A_194 [1, 2] : vector<1x32x1xf32> to vector<1xf32>
    %reduce_sum3A_196 = vector.shape_cast %reduce_sum3A_195 : vector<1xf32> to vector<1x1x1xf32>
    %reduce_sum3A_197 = vector.extract %reduce_sum3A_196[0, 0, 0] : f32 from vector<1x1x1xf32>
    %and3A_198 = arith.andi %and3A_165, %eq3A_154 : vector<32x1xi1>
    %gt3A_199 = arith.constant 0 : i32
    %gt3A_200 = vector.broadcast %gt3A_199 : i32 to vector<32x1xi32>
    %gt3A_201 = arith.cmpi sgt, %broadcast_in_dim3A_138, %gt3A_200 : vector<32x1xi32>
    %gt3A_202 = arith.constant 0 : i32
    %gt3A_203 = vector.broadcast %gt3A_202 : i32 to vector<32x1xi32>
    %gt3A_204 = arith.cmpi sgt, %broadcast_in_dim3A_144, %gt3A_203 : vector<32x1xi32>
    %eq3A_205 = arith.constant 0 : i32
    %eq3A_206 = vector.broadcast %eq3A_205 : i32 to vector<32x1xi32>
    %eq3A_207 = arith.cmpi eq, %broadcast_in_dim3A_144, %eq3A_206 : vector<32x1xi32>
    %not3A_208 = arith.constant dense<true> : vector<32x1xi1>
    %not3A_209 = arith.xori %eq3A_154, %not3A_208 : vector<32x1xi1>
    %and3A_210 = arith.andi %eq3A_207, %not3A_209 : vector<32x1xi1>
    %or3A_211 = arith.ori %gt3A_204, %and3A_210 : vector<32x1xi1>
    %and3A_212 = arith.andi %gt3A_201, %or3A_211 : vector<32x1xi1>
    %select_n3A_213 = arith.select %and3A_198, %broadcast_in_dim3A_156, %broadcast_in_dim3A_158 : vector<32x1xi1>, vector<32x1xf32>
    %reduce_sum3A_214 = vector.shape_cast %select_n3A_213 : vector<32x1xf32> to vector<1x32x1xf32>
    %reduce_sum3A_215 = arith.constant dense<0.000000e+00> : vector<1xf32>
    %reduce_sum3A_216 = vector.multi_reduction <add>, %reduce_sum3A_214, %reduce_sum3A_215 [1, 2] : vector<1x32x1xf32> to vector<1xf32>
    %reduce_sum3A_217 = vector.shape_cast %reduce_sum3A_216 : vector<1xf32> to vector<1x1x1xf32>
    %reduce_sum3A_218 = vector.extract %reduce_sum3A_217[0, 0, 0] : f32 from vector<1x1x1xf32>
    %select_n3A_219 = arith.select %and3A_212, %broadcast_in_dim3A_156, %broadcast_in_dim3A_158 : vector<32x1xi1>, vector<32x1xf32>
    %reduce_sum3A_220 = vector.shape_cast %select_n3A_219 : vector<32x1xf32> to vector<1x32x1xf32>
    %reduce_sum3A_221 = arith.constant dense<0.000000e+00> : vector<1xf32>
    %reduce_sum3A_222 = vector.multi_reduction <add>, %reduce_sum3A_220, %reduce_sum3A_221 [1, 2] : vector<1x32x1xf32> to vector<1xf32>
    %reduce_sum3A_223 = vector.shape_cast %reduce_sum3A_222 : vector<1xf32> to vector<1x1x1xf32>
    %reduce_sum3A_224 = vector.extract %reduce_sum3A_223[0, 0, 0] : f32 from vector<1x1x1xf32>
    %add3A_225 = arith.addf %reduce_sum3A_94, %reduce_sum3A_108 : f32
    %add3A_226 = arith.constant 9.99999993E-9 : f32
    %add3A_227 = arith.addf %add3A_225, %add3A_226 : f32
    %div3A = arith.divf %reduce_sum3A_94, %add3A_227 : f32
    %add3A_228 = arith.addf %reduce_sum3A_94, %reduce_sum3A_101 : f32
    %add3A_229 = arith.constant 9.99999993E-9 : f32
    %add3A_230 = arith.addf %add3A_228, %add3A_229 : f32
    %div3A_231 = arith.divf %reduce_sum3A_94, %add3A_230 : f32
    %mul3A = arith.constant 2.000000e+00 : f32
    %mul3A_232 = arith.mulf %mul3A, %div3A : f32
    %mul3A_233 = arith.mulf %mul3A_232, %div3A_231 : f32
    %add3A_234 = arith.addf %div3A, %div3A_231 : f32
    %add3A_235 = arith.constant 9.99999993E-9 : f32
    %add3A_236 = arith.addf %add3A_234, %add3A_235 : f32
    %div3A_237 = arith.divf %mul3A_233, %add3A_236 : f32
    %add3A_238 = arith.addf %reduce_sum3A_120, %reduce_sum3A_108 : f32
    %add3A_239 = arith.constant 9.99999993E-9 : f32
    %add3A_240 = arith.addf %add3A_238, %add3A_239 : f32
    %div3A_241 = arith.divf %reduce_sum3A_120, %add3A_240 : f32
    %add3A_242 = arith.addf %reduce_sum3A_120, %reduce_sum3A_127 : f32
    %add3A_243 = arith.constant 9.99999993E-9 : f32
    %add3A_244 = arith.addf %add3A_242, %add3A_243 : f32
    %div3A_245 = arith.divf %reduce_sum3A_120, %add3A_244 : f32
    %mul3A_246 = arith.constant 2.000000e+00 : f32
    %mul3A_247 = arith.mulf %mul3A_246, %div3A_241 : f32
    %mul3A_248 = arith.mulf %mul3A_247, %div3A_245 : f32
    %add3A_249 = arith.addf %div3A_241, %div3A_245 : f32
    %add3A_250 = arith.constant 9.99999993E-9 : f32
    %add3A_251 = arith.addf %add3A_249, %add3A_250 : f32
    %div3A_252 = arith.divf %mul3A_248, %add3A_251 : f32
    %add3A_253 = arith.addf %reduce_sum3A_185, %reduce_sum3A_197 : f32
    %add3A_254 = arith.constant 9.99999993E-9 : f32
    %add3A_255 = arith.addf %add3A_253, %add3A_254 : f32
    %div3A_256 = arith.divf %reduce_sum3A_185, %add3A_255 : f32
    %add3A_257 = arith.addf %reduce_sum3A_185, %reduce_sum3A_191 : f32
    %add3A_258 = arith.constant 9.99999993E-9 : f32
    %add3A_259 = arith.addf %add3A_257, %add3A_258 : f32
    %div3A_260 = arith.divf %reduce_sum3A_185, %add3A_259 : f32
    %mul3A_261 = arith.constant 2.000000e+00 : f32
    %mul3A_262 = arith.mulf %mul3A_261, %div3A_256 : f32
    %mul3A_263 = arith.mulf %mul3A_262, %div3A_260 : f32
    %add3A_264 = arith.addf %div3A_256, %div3A_260 : f32
    %add3A_265 = arith.constant 9.99999993E-9 : f32
    %add3A_266 = arith.addf %add3A_264, %add3A_265 : f32
    %div3A_267 = arith.divf %mul3A_263, %add3A_266 : f32
    %add3A_268 = arith.addf %reduce_sum3A_218, %reduce_sum3A_197 : f32
    %add3A_269 = arith.constant 9.99999993E-9 : f32
    %add3A_270 = arith.addf %add3A_268, %add3A_269 : f32
    %div3A_271 = arith.divf %reduce_sum3A_218, %add3A_270 : f32
    %add3A_272 = arith.addf %reduce_sum3A_218, %reduce_sum3A_224 : f32
    %add3A_273 = arith.constant 9.99999993E-9 : f32
    %add3A_274 = arith.addf %add3A_272, %add3A_273 : f32
    %div3A_275 = arith.divf %reduce_sum3A_218, %add3A_274 : f32
    %mul3A_276 = arith.constant 2.000000e+00 : f32
    %mul3A_277 = arith.mulf %mul3A_276, %div3A_271 : f32
    %mul3A_278 = arith.mulf %mul3A_277, %div3A_275 : f32
    %add3A_279 = arith.addf %div3A_271, %div3A_275 : f32
    %add3A_280 = arith.constant 9.99999993E-9 : f32
    %add3A_281 = arith.addf %add3A_279, %add3A_280 : f32
    %div3A_282 = arith.divf %mul3A_278, %add3A_281 : f32
    %swap3A_283 = arith.constant 0 : index
    %swap3A_284 = arith.constant 0 : index
    %swap3A_285 = memref.load %arg12[%swap3A_283, %swap3A_284] : memref<1x32xf32, #tpu.memory_space<smem>>
    memref.store %reduce_sum3A_34, %arg12[%swap3A_283, %swap3A_284] : memref<1x32xf32, #tpu.memory_space<smem>>
    %swap3A_286 = arith.constant 0 : index
    %swap3A_287 = arith.constant 1 : index
    %swap3A_288 = memref.load %arg12[%swap3A_286, %swap3A_287] : memref<1x32xf32, #tpu.memory_space<smem>>
    memref.store %reduce_sum3A_40, %arg12[%swap3A_286, %swap3A_287] : memref<1x32xf32, #tpu.memory_space<smem>>
    %swap3A_289 = arith.constant 0 : index
    %swap3A_290 = arith.constant 2 : index
    %swap3A_291 = memref.load %arg12[%swap3A_289, %swap3A_290] : memref<1x32xf32, #tpu.memory_space<smem>>
    memref.store %reduce_sum3A_94, %arg12[%swap3A_289, %swap3A_290] : memref<1x32xf32, #tpu.memory_space<smem>>
    %swap3A_292 = arith.constant 0 : index
    %swap3A_293 = arith.constant 3 : index
    %swap3A_294 = memref.load %arg12[%swap3A_292, %swap3A_293] : memref<1x32xf32, #tpu.memory_space<smem>>
    memref.store %reduce_sum3A_101, %arg12[%swap3A_292, %swap3A_293] : memref<1x32xf32, #tpu.memory_space<smem>>
    %swap3A_295 = arith.constant 0 : index
    %swap3A_296 = arith.constant 4 : index
    %swap3A_297 = memref.load %arg12[%swap3A_295, %swap3A_296] : memref<1x32xf32, #tpu.memory_space<smem>>
    memref.store %reduce_sum3A_108, %arg12[%swap3A_295, %swap3A_296] : memref<1x32xf32, #tpu.memory_space<smem>>
    %swap3A_298 = arith.constant 0 : index
    %swap3A_299 = arith.constant 5 : index
    %swap3A_300 = memref.load %arg12[%swap3A_298, %swap3A_299] : memref<1x32xf32, #tpu.memory_space<smem>>
    memref.store %reduce_sum3A_120, %arg12[%swap3A_298, %swap3A_299] : memref<1x32xf32, #tpu.memory_space<smem>>
    %swap3A_301 = arith.constant 0 : index
    %swap3A_302 = arith.constant 6 : index
    %swap3A_303 = memref.load %arg12[%swap3A_301, %swap3A_302] : memref<1x32xf32, #tpu.memory_space<smem>>
    memref.store %reduce_sum3A_127, %arg12[%swap3A_301, %swap3A_302] : memref<1x32xf32, #tpu.memory_space<smem>>
    %swap3A_304 = arith.constant 0 : index
    %swap3A_305 = arith.constant 7 : index
    %swap3A_306 = memref.load %arg12[%swap3A_304, %swap3A_305] : memref<1x32xf32, #tpu.memory_space<smem>>
    memref.store %reduce_sum3A_108, %arg12[%swap3A_304, %swap3A_305] : memref<1x32xf32, #tpu.memory_space<smem>>
    %swap3A_307 = arith.constant 0 : index
    %swap3A_308 = arith.constant 8 : index
    %swap3A_309 = memref.load %arg12[%swap3A_307, %swap3A_308] : memref<1x32xf32, #tpu.memory_space<smem>>
    memref.store %reduce_sum3A_185, %arg12[%swap3A_307, %swap3A_308] : memref<1x32xf32, #tpu.memory_space<smem>>
    %swap3A_310 = arith.constant 0 : index
    %swap3A_311 = arith.constant 9 : index
    %swap3A_312 = memref.load %arg12[%swap3A_310, %swap3A_311] : memref<1x32xf32, #tpu.memory_space<smem>>
    memref.store %reduce_sum3A_191, %arg12[%swap3A_310, %swap3A_311] : memref<1x32xf32, #tpu.memory_space<smem>>
    %swap3A_313 = arith.constant 0 : index
    %swap3A_314 = arith.constant 10 : index
    %swap3A_315 = memref.load %arg12[%swap3A_313, %swap3A_314] : memref<1x32xf32, #tpu.memory_space<smem>>
    memref.store %reduce_sum3A_197, %arg12[%swap3A_313, %swap3A_314] : memref<1x32xf32, #tpu.memory_space<smem>>
    %swap3A_316 = arith.constant 0 : index
    %swap3A_317 = arith.constant 11 : index
    %swap3A_318 = memref.load %arg12[%swap3A_316, %swap3A_317] : memref<1x32xf32, #tpu.memory_space<smem>>
    memref.store %reduce_sum3A_218, %arg12[%swap3A_316, %swap3A_317] : memref<1x32xf32, #tpu.memory_space<smem>>
    %swap3A_319 = arith.constant 0 : index
    %swap3A_320 = arith.constant 12 : index
    %swap3A_321 = memref.load %arg12[%swap3A_319, %swap3A_320] : memref<1x32xf32, #tpu.memory_space<smem>>
    memref.store %reduce_sum3A_224, %arg12[%swap3A_319, %swap3A_320] : memref<1x32xf32, #tpu.memory_space<smem>>
    %swap3A_322 = arith.constant 0 : index
    %swap3A_323 = arith.constant 13 : index
    %swap3A_324 = memref.load %arg12[%swap3A_322, %swap3A_323] : memref<1x32xf32, #tpu.memory_space<smem>>
    memref.store %reduce_sum3A_197, %arg12[%swap3A_322, %swap3A_323] : memref<1x32xf32, #tpu.memory_space<smem>>
    %swap3A_325 = arith.constant 0 : index
    %swap3A_326 = arith.constant 14 : index
    %swap3A_327 = memref.load %arg12[%swap3A_325, %swap3A_326] : memref<1x32xf32, #tpu.memory_space<smem>>
    memref.store %div3A, %arg12[%swap3A_325, %swap3A_326] : memref<1x32xf32, #tpu.memory_space<smem>>
    %swap3A_328 = arith.constant 0 : index
    %swap3A_329 = arith.constant 15 : index
    %swap3A_330 = memref.load %arg12[%swap3A_328, %swap3A_329] : memref<1x32xf32, #tpu.memory_space<smem>>
    memref.store %div3A_231, %arg12[%swap3A_328, %swap3A_329] : memref<1x32xf32, #tpu.memory_space<smem>>
    %swap3A_331 = arith.constant 0 : index
    %swap3A_332 = arith.constant 16 : index
    %swap3A_333 = memref.load %arg12[%swap3A_331, %swap3A_332] : memref<1x32xf32, #tpu.memory_space<smem>>
    memref.store %div3A_237, %arg12[%swap3A_331, %swap3A_332] : memref<1x32xf32, #tpu.memory_space<smem>>
    %swap3A_334 = arith.constant 0 : index
    %swap3A_335 = arith.constant 17 : index
    %swap3A_336 = memref.load %arg12[%swap3A_334, %swap3A_335] : memref<1x32xf32, #tpu.memory_space<smem>>
    memref.store %div3A_241, %arg12[%swap3A_334, %swap3A_335] : memref<1x32xf32, #tpu.memory_space<smem>>
    %swap3A_337 = arith.constant 0 : index
    %swap3A_338 = arith.constant 18 : index
    %swap3A_339 = memref.load %arg12[%swap3A_337, %swap3A_338] : memref<1x32xf32, #tpu.memory_space<smem>>
    memref.store %div3A_245, %arg12[%swap3A_337, %swap3A_338] : memref<1x32xf32, #tpu.memory_space<smem>>
    %swap3A_340 = arith.constant 0 : index
    %swap3A_341 = arith.constant 19 : index
    %swap3A_342 = memref.load %arg12[%swap3A_340, %swap3A_341] : memref<1x32xf32, #tpu.memory_space<smem>>
    memref.store %div3A_252, %arg12[%swap3A_340, %swap3A_341] : memref<1x32xf32, #tpu.memory_space<smem>>
    %swap3A_343 = arith.constant 0 : index
    %swap3A_344 = arith.constant 20 : index
    %swap3A_345 = memref.load %arg12[%swap3A_343, %swap3A_344] : memref<1x32xf32, #tpu.memory_space<smem>>
    memref.store %div3A_256, %arg12[%swap3A_343, %swap3A_344] : memref<1x32xf32, #tpu.memory_space<smem>>
    %swap3A_346 = arith.constant 0 : index
    %swap3A_347 = arith.constant 21 : index
    %swap3A_348 = memref.load %arg12[%swap3A_346, %swap3A_347] : memref<1x32xf32, #tpu.memory_space<smem>>
    memref.store %div3A_260, %arg12[%swap3A_346, %swap3A_347] : memref<1x32xf32, #tpu.memory_space<smem>>
    %swap3A_349 = arith.constant 0 : index
    %swap3A_350 = arith.constant 22 : index
    %swap3A_351 = memref.load %arg12[%swap3A_349, %swap3A_350] : memref<1x32xf32, #tpu.memory_space<smem>>
    memref.store %div3A_267, %arg12[%swap3A_349, %swap3A_350] : memref<1x32xf32, #tpu.memory_space<smem>>
    %swap3A_352 = arith.constant 0 : index
    %swap3A_353 = arith.constant 23 : index
    %swap3A_354 = memref.load %arg12[%swap3A_352, %swap3A_353] : memref<1x32xf32, #tpu.memory_space<smem>>
    memref.store %div3A_271, %arg12[%swap3A_352, %swap3A_353] : memref<1x32xf32, #tpu.memory_space<smem>>
    %swap3A_355 = arith.constant 0 : index
    %swap3A_356 = arith.constant 24 : index
    %swap3A_357 = memref.load %arg12[%swap3A_355, %swap3A_356] : memref<1x32xf32, #tpu.memory_space<smem>>
    memref.store %div3A_275, %arg12[%swap3A_355, %swap3A_356] : memref<1x32xf32, #tpu.memory_space<smem>>
    %swap3A_358 = arith.constant 0 : index
    %swap3A_359 = arith.constant 25 : index
    %swap3A_360 = memref.load %arg12[%swap3A_358, %swap3A_359] : memref<1x32xf32, #tpu.memory_space<smem>>
    memref.store %div3A_282, %arg12[%swap3A_358, %swap3A_359] : memref<1x32xf32, #tpu.memory_space<smem>>
    return
  }
}

</mosaic_0001>

<sc_bundles>
// kernel: kernel.5.cloned.1.call-start
scs
__scs_entry_jumppad:
0x0: {  	(pc) =	sbr.rel $0x88, $3  }
0x1: {  	(tag) =	ssettag $0x0;
	lr =	simm.s32 $0x1  }
0x2: {  	[smem:$0x3F9A] =	sst lr;
	_ =	strace $0xD0000000  }
0x3: {  	_ = 	snop  }
0x4: {  	_ = 	snop  }
0x5: {  	_ = 	snop  }
0x6: {  	_ = 	snop  }
0x7: {  	_ = 	snop  }
__scs_overlays_trampoline_lowered:
0x8: {  	[smem:$0x3FA9] =	sst s0  }
0x9: {  	[smem:$0x3FAA] =	sst s1  }
0xa: {  	[smem:$0x3FAB] =	sst s2  }
0xb: {  	[smem:$0x3FAC] =	sst s3  }
0xc: {  	[smem:$0x3FAD] =	sst s4  }
0xd: {  	[smem:$0x3FAE] =	sst s5  }
0xe: {  	[smem:$0x3FAF] =	sst s6  }
0xf: {  	[smem:$0x3FB0] =	sst s7  }
0x10: {  	[smem:$0x3FB1] =	sst s8  }
0x11: {  	[smem:$0x3FB2] =	sst s9;
	s0 =	simm.s32 @!p0 $0x0  }
0x12: {  	s1 =	sld [smem:$0x3F98];
	s0 =	simm.s32 @p0 $0x1  }
0x13: {  	[smem:$0x3FB3] =	sst s0;
	s0 =	simm.s32 @!p1 $0x0  }
0x14: {  	s2 =	sld [smem:$0x3F97];
	s0 =	simm.s32 @p1 $0x1  }
0x15: {  	[smem:$0x3FB4] =	sst s0;
	s0 =	simm.s32 @!p2 $0x0  }
0x16: {  	s3 =	sld [smem:$0x3FDB];
	s0 =	simm.s32 @p2 $0x1  }
0x17: {  	s4 =	simm.s32 $0x1BF5;
	[smem:$0x3FB6] =	sst s0  }
0x18: {  	s0 =	sld [smem:$0x3F99];
	_ =	swait.ge [sflag:s4], $0x0  }
0x19: {  	s7 =	sld [smem:$0x3F9A]  }
0x1a: {  	s8 =	sadd.s32 $0xFFFFE003, lr  }
0x1b: {  	s9 =	sadd.s32 $0xFFFFFEF7, lr;
	s5 =	simm.s32 $0xFFFFFFFF;
	p2 =	slt.u32 s8, $0xFFFFF086  }
0x1c: {  	p1 =	slt.u32 s9, $0xF7A;
	s5 =	simm.s32 @!p2 $0x0  }
0x1d: {  	s5 =	simm.s32 @p1 $0x1;
	p0 =	seq.s32 s7, s2  }
0x1e: {  	s7 =	smul.u32 @!p0 $0xF7A, s2;
	p2 =	seq.s32 @!p0 s5, $0x0  }
0x1f: {  	s9 =	smul.u32 $0xF7A, s1;
	s8 =	simm.s32 @!p0 $0x1BF5;
	p2 =	por !p2, p0  }
0x20: {  	[sflag:s8] =	ssyncset.s32 @!p0 $0xFFFFF086;
	s6 =	sadd.s32 @!p0 s3, s7;
	s7 =	simm.s32 @!p0 $0x108  }
0x21: {  	s3 =	sadd.s32 s3, s9;
	s6 =	sadd.s32 @!p0 $0x88, s6;
	s7 =	simm.s32 @p2 $0x1082  }
0x22: {  	[simem:s7], [sflag:s8] =	dma.local @!p0 [hbm:s6], $0xF7A  }
0x23: {  	s9 =	sor.u32 $0xD0000000, s2;
	s6 =	simm.s32 $0x108;
	_ =	swait.ge @!p0 [sflag:s8], $0x0  }
0x24: {  	s3 =	sadd.s32 $0x88, s3;
	s6 =	simm.s32 @!p1 $0x1082;
	[sflag:s4] =	ssyncset.s32 $0xFFFFF086  }
0x25: {  	[simem:s6], [sflag:s4] =	dma.local [hbm:s3], $0xF7A  }
0x26: {  	[smem:$0x3F9A] =	sst s1;
	(tag) =	ssettag s2;
	_ =	strace s9  }
0x27: {  	s1 =	sld [smem:$0x3FAA]  }
0x28: {  	s2 =	sld [smem:$0x3FAB]  }
0x29: {  	s4 =	sld [smem:$0x3FAD]  }
0x2a: {  	p0 =	seq.s32 s5, $0x0;
	s5 =	sld [smem:$0x3FAE]  }
0x2b: {  	s6 =	sld [smem:$0x3FAF]  }
0x2c: {  	s7 =	sld [smem:$0x3FB0]  }
0x2d: {  	s3 =	simm.s32 $0x108;
	s8 =	sld [smem:$0x3FB1]  }
0x2e: {  	s3 =	simm.s32 @!p0 $0x1082;
	s9 =	sld [smem:$0x3FB2]  }
0x2f: {  	lr =	sadd.s32 s0, s3;
	s0 =	sld [smem:$0x3FA9]  }
0x30: {  	s3 =	sld [smem:$0x3FAC]  }
0x31: {  	[smem:$0x3FB5] =	sst s10  }
0x32: {  	s10 =	sld [smem:$0x3FB3];
	_ =	sdelay $0x3  }
0x33: {  	p0 =	seq.s32 s10, $0x1;
	s10 =	sld [smem:$0x3FB5];
	_ =	sdelay $0x3  }
0x34: {  	[smem:$0x3FB5] =	sst s10  }
0x35: {  	s10 =	sld [smem:$0x3FB4];
	_ =	sdelay $0x3  }
0x36: {  	p1 =	seq.s32 s10, $0x1;
	s10 =	sld [smem:$0x3FB5];
	_ =	sdelay $0x3  }
0x37: {  	[smem:$0x3FB5] =	sst s10  }
0x38: {  	s10 =	sld [smem:$0x3FB6]  }
0x39: {  	_ = 	snop;
	(pc) =	sbr.ind lr, $3  }
0x3a: {  	_ = 	snop  }
0x3b: {  	_ = 	snop  }
0x3c: {  	p2 =	seq.s32 s10, $0x1;
	s10 =	sld [smem:$0x3FB5]  }
0x3d: {  	_ =	shalt  }
0x3e: {  	_ =	shalt  }
0x3f: {  	_ =	shalt  }
0x40: {  	_ =	shalt  }
0x41: {  	_ =	shalt  }
0x42: {  	_ =	shalt  }
0x43: {  	_ =	shalt  }
0x44: {  	_ =	shalt  }
0x45: {  	_ =	shalt  }
0x46: {  	_ =	shalt  }
0x47: {  	_ =	shalt  }
0x48: {  	_ =	shalt  }
0x49: {  	_ =	shalt  }
0x4a: {  	_ =	shalt  }
0x4b: {  	_ =	shalt  }
0x4c: {  	_ =	shalt  }
0x4d: {  	_ =	shalt  }
0x4e: {  	_ =	shalt  }
0x4f: {  	_ =	shalt  }
0x50: {  	_ =	shalt  }
0x51: {  	_ =	shalt  }
0x52: {  	_ =	shalt  }
0x53: {  	_ =	shalt  }
0x54: {  	_ =	shalt  }
0x55: {  	_ =	shalt  }
0x56: {  	_ =	shalt  }
0x57: {  	_ =	shalt  }
0x58: {  	_ =	shalt  }
0x59: {  	_ =	shalt  }
0x5a: {  	_ =	shalt  }
0x5b: {  	_ =	shalt  }
0x5c: {  	_ =	shalt  }
0x5d: {  	_ =	shalt  }
0x5e: {  	_ =	shalt  }
0x5f: {  	_ =	shalt  }
0x60: {  	_ =	shalt  }
0x61: {  	_ =	shalt  }
0x62: {  	_ =	shalt  }
0x63: {  	_ =	shalt  }
0x64: {  	_ =	shalt  }
0x65: {  	_ =	shalt  }
0x66: {  	_ =	shalt  }
0x67: {  	_ =	shalt  }
0x68: {  	_ =	shalt  }
0x69: {  	_ =	shalt  }
0x6a: {  	_ =	shalt  }
0x6b: {  	_ =	shalt  }
0x6c: {  	_ =	shalt  }
0x6d: {  	_ =	shalt  }
0x6e: {  	_ =	shalt  }
0x6f: {  	_ =	shalt  }
0x70: {  	_ =	shalt  }
0x71: {  	_ =	shalt  }
0x72: {  	_ =	shalt  }
0x73: {  	_ =	shalt  }
0x74: {  	_ =	shalt  }
0x75: {  	_ =	shalt  }
0x76: {  	_ =	shalt  }
0x77: {  	_ =	shalt  }
0x78: {  	_ =	shalt  }
0x79: {  	_ =	shalt  }
0x7a: {  	_ =	shalt  }
0x7b: {  	_ =	shalt  }
0x7c: {  	_ =	shalt  }
0x7d: {  	_ =	shalt  }
0x7e: {  	_ =	shalt  }
0x7f: {  	_ =	shalt  }
0x80: {  	_ =	shalt  }
0x81: {  	_ =	shalt  }
0x82: {  	_ =	shalt  }
0x83: {  	_ =	shalt  }
0x84: {  	_ =	shalt  }
0x85: {  	_ =	shalt  }
0x86: {  	_ =	shalt  }
0x87: {  	_ =	shalt  }
.Lfunc_end0:
.L_simem_size_0:
called_computation.1_lowered:
.L_overlay_start_0:
0x88: {  	s2 =	sld [smem:$0x3FD9]  }
0x89: {  	s3 =	sld [smem:$0x3FFE];
	_ =	sdelay $0x1  }
0x8a: {  	s1 =	srdreg.scid  }
0x8b: {  	s0 =	sand.u32 $0x1, s1  }
0x8c: {  	s14 =	sshll.u32 s0, $0xA;
	s2 =	sadd.s32 s3, s2  }
0x8d: {  	s2 =	sadd.s32 s2, s14  }
0x8e: {  	[smem:$0x3FC1] =	sst s2  }
0x8f: {  	_ = 	snop  }
0x90: {  	s2 =	sld [smem:$0x3FD0];
	_ =	sdelay $0x2  }
0x91: {  	s15 =	simm.s32 $0xA;
	s4 =	simm.s32 $0x10  }
0x92: {  	[smem:s4], [sflag:s15] =	dma.local [hbm:s2], $0x1  }
0x93: {  	_ =	swait.eq [sflag:s15], $0x1  }
0x94: {  	s16 =	sld [smem:$0x13];
	[sflag:s15] =	ssyncset.done $0x0  }
0x95: {  	s17 =	sld [smem:$0x14];
	[sflag:s15] =	ssyncadd.s32 $0xFFFFFFFF  }
0x96: {  	s18 =	sld [smem:$0x15];
	(tm) =	ssettm $0x1  }
0x97: {  	s5 =	sld [smem:$0x3FFB];
	_ =	sdelay $0x3  }
0x98: {  	_ =	strace s5  }
0x99: {  	s5 =	sld [smem:$0x3FFC];
	_ =	sdelay $0x3  }
0x9a: {  	_ =	strace s5  }
0x9b: {  	s5 =	sld [smem:$0x3FFD];
	_ =	sdelay $0x3  }
0x9c: {  	_ =	strace s5  }
0x9d: {  	_ =	strace $0x8FFFFFFF  }
0x9e: {  	s19 =	sld [smem:$0x3FDB];
	_ =	sdelay $0x1  }
0x9f: {  	s6 =	simm.s32 $_scs_section_size  }
0xa0: {  	s7 =	simm.s32 $_size__tile_overlayer_lowered;
	s8 =	simm.s32 $_tile_overlayer_lowered  }
0xa1: {  	s22 =	simm.s32 $0x1BFF;
	s21 =	sshll.u32 s8, $0x1;
	s5 =	sadd.s32 s6, s19  }
0xa2: {  	s9 =	simm.s32 $0x0;
	s20 =	sshll.u32 s7, $0x1;
	s7 =	sadd.s32 s21, s5  }
0xa3: {  	[timem:s9], [sflag:s22] =	dma.local [hbm:s7], s20  }
0xa4: {  	_ =	swait.ge [sflag:s22], s20  }
0xa5: {  	s6 =	ssub.s32 $0x0, s20;
	[sflag:s22] =	ssyncset.done $0x0  }
0xa6: {  	[sflag:s22] =	ssyncadd.s32 s6;
	_ =	sdelay $0x1  }
0xa7: {  	s23 =	simm.s32 $0x1B8B  }
0xa8: {  	_ =	swait.ge [sflag:s23], $0x1  }
0xa9: {  	[sflag:s23] =	ssyncset.done $0x0  }
0xaa: {  	s25 =	simm.s32 $0x1B8E;
	s24 =	sld [smem:$0x3FFE];
	[sflag:s23] =	ssyncadd.s32 $0xFFFFFFFF  }
0xab: {  	s26 =	simm.s32 $execute0_lowered;
	[smem:$0x3FD2] =	sst s25  }
0xac: {  	s7 =	sshll.u32 s26, $0x1;
	_ =	strace $0x80000049;
	[dreg:$0x1] =	wrdreg $0xFFFFFFFF  }
0xad: {  	s28 =	simm.s32 $_size_execute0_lowered;
	s5 =	sadd.s32 s5, s7;
	[dreg:$0x0] =	wrdreg $0x0  }
0xae: {  	s7 =	sshll.u32 s28, $0x1;
	[dreg:$0x2] =	wrdreg s5  }
0xaf: {  	[dreg:$0x3] =	wrdreg s7  }
0xb0: {  	[dreg:$0x4] =	wrdreg $0xC0  }
0xb1: {  	_ =	task [dreg:s9], $0x5FFFF  }
0xb2: {  	[dreg:$0x1] =	wrdreg $0xFFFFFFFF  }
0xb3: {  	[dreg:$0x0] =	wrdreg $0x60  }
0xb4: {  	[dreg:$0x2] =	wrdreg s24  }
0xb5: {  	[dreg:$0x3] =	wrdreg s18  }
0xb6: {  	[dreg:$0x4] =	wrdreg s17  }
0xb7: {  	[dreg:$0x5] =	wrdreg s16  }
0xb8: {  	[dreg:$0x6] =	wrdreg $0x9  }
0xb9: {  	_ =	task.clear_ibuf [dreg:s9], $0x7FFFF;
	_ =	strace $0x90000049  }
0xba: {  	s29 =	simm.s32 $0x9;
	_ =	strace $0x8000004B  }
0xbb: {  	_ =	swait.ge [sflag:s29], $0x1  }
0xbc: {  	[sflag:s29] =	ssyncadd.s32 $0xFFFFFFFF  }
0xbd: {  	_ =	strace $0x9000004B  }
0xbe: {  	_ =	sfence  }
0xbf: {  	s30 =	sld [smem:$0x0];
	_ =	sdelay $0x2  }
0xc0: {  	s31 =	sshll.u32 s1, $0xD;
	s1 =	sshrl.u32 s1, $0x2  }
0xc1: {  	s3 =	sand.u32 $0x4000, s31;
	s1 =	sadd.s32 s1, s30  }
0xc2: {  	s0 =	sor.u32 s3, s0;
	s1 =	sshll.u32 s1, $0x11  }
0xc3: {  	s0 =	sor.u32 s1, s0  }
0xc4: {  	s0 =	sadd.s32 $0x8F2B, s0  }
0xc5: {  	[sflag:s0] =	ssyncadd.remote.s32 $0x1  }
0xc6: {  	_ =	sfence.sel $0xFFFF  }
0xc7: {  	[dreg:$0x0] =	wrdreg $0xFFFFFFFF;
	(pc) =	sbr.abs _section_cstart, $3  }
0xc8: {  	[dreg:$0x1] =	wrdreg $0xFFFFFFFF  }
0xc9: {  	_ =	task.clear_ibuf [dreg:s9], $0x2FFFF;
	_ =	strace $0x9FFFFFFF  }
0xca: {  	(tm) =	ssettm $0x7FFFFFFF  }
0xcb: {  	_ =	shalt  }
tec
execute0_lowered:
.L_overlay_start_1:
0x0: {  	(tag) =	ssettag $0x1  }
0x1: {  	s7 =	rddreg [dreg:$0x0]  }
0x2: {  	s3 =	rddreg [dreg:$0x1]  }
0x3: {  	s1 =	srdreg.scid;
	s0 =	stileid.u32  }
0x4: {  	s5 =	rddreg [dreg:$0x2];
	s10 =	sand.u32 $0x1, s1;
	s20 =	sshll.u32 s0, $0x1  }
0x5: {  	s8 =	rddreg [dreg:$0x3];
	s11 =	sor.u32 s10, s20  }
0x6: {  	s2 =	simm.s32 $0x0;
	s1 =	rddreg [dreg:$0x4];
	s9 =	smul.u32 $0x18, s11  }
0x7: {  	[smem:$0x7FF] =	sst s2  }
0x8: {  	_ =	strace $0x8000004A;
	s4 =	sadd.s32 s3, s9;
	s3 =	simm.s32 $0x2  }
0x9: {  	[tilespmem:s2], [sflag:$0x2] =	stream.linear.gather [hbm4b:s4+s2], $0xC0, $0x38;
	[tilespmem:$0x600] =	vst v63  }
0xa: {  	_ =	swait.ge [sflag:s3], $0xC0  }
0xb: {  	[sflag:s3] =	ssyncset.done $0x0  }
0xc: {  	s6 =	simm.s32 $0x100;
	s5 =	sadd.s32 s5, s9;
	[sflag:s3] =	ssyncadd.s32 $0xFFFFFF40  }
0xd: {  	[tilespmem:s6], [sflag:$0x2] =	stream.linear.gather [hbm4b:s5+s2], $0xC0, $0x38;
	[tilespmem:$0x600] =	vst v63  }
0xe: {  	_ =	swait.ge [sflag:s3], $0xC0  }
0xf: {  	[sflag:s3] =	ssyncset.done $0x0  }
0x10: {  	[sflag:s3] =	ssyncadd.s32 $0xFFFFFF40  }
0x11: {  	v2 =	vld [tilespmem:$0x1B0]  }
0x12: {  	v0 =	vlaneseq.u32;
	s11 =	smul.u32 $0x180000, s11;
	v3 =	vld [tilespmem:$0x190]  }
0x13: {  	v11 =	vmul.u32 $0x2000, v0;
	v4 =	vld [tilespmem:$0xB0]  }
0x14: {  	s12 =	sadd.s32 $0x160000, s11;
	v5 =	vld [tilespmem:$0x1A0]  }
0x15: {  	s13 =	sadd.s32 $0x120000, s11;
	v0 =	vor.u32 s12, v11;
	v6 =	vld [tilespmem:$0xA0]  }
0x16: {  	v1 =	vor.u32 s13, v11;
	v7 =	vld [tilespmem:$0x150];
	v2 =	vadd.s32 v0, v2  }
0x17: {  	s21 =	sadd.s32 $0x140000, s11;
	v8 =	vld [tilespmem:$0x90];
	v3 =	vadd.s32 v1, v3;
	[tilespmem:$0x3B0] =	vst v2  }
0x18: {  	v9 =	vld [tilespmem:$0x180];
	v2 =	vor.u32 s21, v11;
	[tilespmem:$0x390] =	vst v3;
	v3 =	vadd.s32 v0, v4  }
0x19: {  	s22 =	sadd.s32 $0xA0000, s11;
	v10 =	vld [tilespmem:$0x80];
	v4 =	vadd.s32 v2, v5;
	[tilespmem:$0x2B0] =	vst v3  }
0x1a: {  	v12 =	vld [tilespmem:$0x70];
	v3 =	vor.u32 s22, v11;
	v5 =	vadd.s32 v2, v6;
	[tilespmem:$0x3A0] =	vst v4  }
0x1b: {  	s23 =	sadd.s32 $0x100000, s11;
	v59 =	vld [tilespmem:$0x170];
	v6 =	vadd.s32 v3, v7;
	[tilespmem:$0x2A0] =	vst v5  }
0x1c: {  	v13 =	vld [tilespmem:$0x60];
	v4 =	vor.u32 s23, v11;
	v5 =	vadd.s32 v1, v8;
	[tilespmem:$0x350] =	vst v6  }
0x1d: {  	s24 =	sadd.s32 $0xE0000, s11;
	v7 =	vld [tilespmem:$0x160];
	v6 =	vadd.s32 v4, v9;
	[tilespmem:$0x290] =	vst v5  }
0x1e: {  	v8 =	vld [tilespmem:$0x110];
	v5 =	vor.u32 s24, v11;
	v10 =	vadd.s32 v4, v10;
	[tilespmem:$0x380] =	vst v6  }
0x1f: {  	s25 =	sadd.s32 $0xC0000, s11;
	v9 =	vld [tilespmem:$0x50];
	v12 =	vadd.s32 v5, v12;
	[tilespmem:$0x280] =	vst v10  }
0x20: {  	v17 =	vld [tilespmem:$0x10];
	v6 =	vor.u32 s25, v11;
	v61 =	vadd.s32 v5, v59;
	[tilespmem:$0x270] =	vst v12  }
0x21: {  	s26 =	sor.u32 $0x20000, s11;
	v14 =	vld [tilespmem:$0x140];
	v13 =	vadd.s32 v6, v13;
	[tilespmem:$0x370] =	vst v61  }
0x22: {  	v10 =	vld [tilespmem:$0x40];
	[tilespmem:$0x260] =	vst v13;
	v15 =	vadd.s32 v6, v7;
	v7 =	vor.u32 s26, v11  }
0x23: {  	v55 =	vld [tilespmem:$0x130];
	[tilespmem:$0x360] =	vst v15;
	v56 =	vadd.s32 v7, v8  }
0x24: {  	s28 =	sadd.s32 $0x80000, s11;
	v16 =	vld [tilespmem:$0x30];
	v9 =	vadd.s32 v3, v9;
	[tilespmem:$0x310] =	vst v56  }
0x25: {  	v57 =	vld [tilespmem:$0x120];
	v8 =	vor.u32 s28, v11;
	v62 =	vadd.s32 v7, v17;
	[tilespmem:$0x250] =	vst v9  }
0x26: {  	s29 =	sor.u32 $0x60000, s11;
	v58 =	vld [tilespmem:$0x20];
	v14 =	vadd.s32 v8, v14;
	[tilespmem:$0x210] =	vst v62  }
0x27: {  	v18 =	vld [tilespmem:$0x100];
	v9 =	vor.u32 s29, v11;
	v10 =	vadd.s32 v8, v10;
	[tilespmem:$0x340] =	vst v14  }
0x28: {  	s10 =	ssub.s32 $0x2, s10;
	s30 =	sor.u32 $0x40000, s11;
	v60 =	vld [tilespmem:$0x0];
	v12 =	vadd.s32 v9, v55;
	[tilespmem:$0x240] =	vst v10  }
0x29: {  	s14 =	simm.s32 $0x200;
	s31 =	sshrl.u32 s10, $0x1;
	v10 =	vor.u32 s30, v11;
	v16 =	vadd.s32 v9, v16;
	[tilespmem:$0x330] =	vst v12  }
0x2a: {  	s15 =	simm.s32 $0x300;
	s16 =	simm.s32 $0x260;
	s10 =	ssub.s32 s10, s31;
	v13 =	vadd.s32 v10, v57;
	[tilespmem:$0x230] =	vst v16  }
0x2b: {  	s17 =	simm.s32 $0x460;
	s18 =	simm.s32 $0x360;
	s20 =	smax.u32 s10, $0x1;
	v11 =	vor.u32 s11, v11;
	v15 =	vadd.s32 v10, v58;
	[tilespmem:$0x320] =	vst v13  }
0x2c: {  	s19 =	simm.s32 $0x560;
	s8 =	sadd.s32 s8, s9;
	p0 =	sne.s32 s20, $0x1;
	v63 =	vadd.s32 v11, v18;
	[tilespmem:$0x220] =	vst v15  }
.Ltmp0:
0x2d: {  	s10 =	simm.s32 $0x500;
	s12 =	simm.s32 $0x60;
	v12 =	vadd.s32 v11, v60;
	[tilespmem:$0x300] =	vst v63;
	(pc) =	sbr.rel @!p0 .LBB2_2-.Ltmp0, $4  }
0x2e: {  	s11 =	sadd.s32 $0x1400, s7;
	s7 =	sadd.s32 s9, s7;
	s9 =	simm.s32 $0x400;
	[tilespmem:$0x200] =	vst v12  }
0x2f: {  	[tilespmem:s9], [sflag:$0x1] =	stream.indirect.gather [hbm4b:s11+s12], $0x1, s14, s12, $0xb8;
	[tilespmem:$0x600] =	vst v63  }
0x30: {  	s13 =	simm.s32 $0x1;
	s20 =	sadd.s32 $0xFFFFFFFF, s20;
	s7 =	sadd.s32 $0x601400, s7  }
0x31: {  	[tilespmem:s10], [sflag:$0x1] =	stream.indirect.gather [hbm4b:s11+s12], $0x1, s15, s12, $0xb8;
	[tilespmem:$0x600] =	vst v63  }
.LBB2_1:
0x32: {  	p0 =	sne.s32 s20, $0x1;
	s20 =	sadd.s32 $0xFFFFFFFF, s20  }
0x33: {  	[tilespmem:s17], [sflag:$0x1] =	stream.indirect.gather [hbm4b:s11+s12], $0x1, s16, s12, $0xb8;
	[tilespmem:$0x600] =	vst v63  }
0x34: {  	_ = 	snop  }
0x35: {  	[tilespmem:s19], [sflag:$0x1] =	stream.indirect.gather [hbm4b:s11+s12], $0x1, s18, s12, $0xb8;
	[tilespmem:$0x600] =	vst v63  }
0x36: {  	_ =	swait.ge [sflag:s13], $0x60  }
0x37: {  	[sflag:s13] =	ssyncset.done $0x0  }
0x38: {  	[sflag:s13] =	ssyncadd.s32 $0xFFFFFFA0  }
0x39: {  	_ =	swait.ge [sflag:s13], $0x60  }
0x3a: {  	[sflag:s13] =	ssyncset.done $0x0  }
0x3b: {  	[sflag:s13] =	ssyncadd.s32 $0xFFFFFFA0  }
0x3c: {  	_ =	swait.ge [sflag:s13], $0x60  }
0x3d: {  	[sflag:s13] =	ssyncset.done $0x0  }
0x3e: {  	[sflag:s13] =	ssyncadd.s32 $0xFFFFFFA0  }
0x3f: {  	_ =	swait.ge [sflag:s13], $0x60  }
0x40: {  	[sflag:s13] =	ssyncset.done $0x0  }
0x41: {  	[sflag:s13] =	ssyncadd.s32 $0xFFFFFFA0  }
0x42: {  	[hbm4b:s8+s2] =	stream.linear.scatter [tilespmem:s9], [sflag:$0x2], $0xC0, $0x38;
	[tilespmem:$0x600] =	vst v63  }
0x43: {  	_ =	swait.ge [sflag:s3], $0xC0  }
0x44: {  	[sflag:s3] =	ssyncset.done $0x0  }
0x45: {  	[sflag:s3] =	ssyncadd.s32 $0xFFFFFF40  }
0x46: {  	[hbm4b:s7+s2] =	stream.linear.scatter [tilespmem:s10], [sflag:$0x2], $0xC0, $0x38;
	[tilespmem:$0x600] =	vst v63  }
0x47: {  	_ =	swait.ge [sflag:s3], $0xC0  }
0x48: {  	[sflag:s3] =	ssyncset.done $0x0  }
0x49: {  	[sflag:s3] =	ssyncadd.s32 $0xFFFFFF40  }
0x4a: {  	[tilespmem:s2], [sflag:$0x2] =	stream.linear.gather [hbm4b:s4+s2], $0xC0, $0x38;
	[tilespmem:$0x600] =	vst v63  }
0x4b: {  	_ =	swait.ge [sflag:s3], $0xC0  }
0x4c: {  	[sflag:s3] =	ssyncset.done $0x0  }
0x4d: {  	[sflag:s3] =	ssyncadd.s32 $0xFFFFFF40  }
0x4e: {  	[tilespmem:s6], [sflag:$0x2] =	stream.linear.gather [hbm4b:s5+s2], $0xC0, $0x38;
	[tilespmem:$0x600] =	vst v63  }
0x4f: {  	_ =	swait.ge [sflag:s3], $0xC0  }
0x50: {  	[sflag:s3] =	ssyncset.done $0x0  }
0x51: {  	[sflag:s3] =	ssyncadd.s32 $0xFFFFFF40  }
0x52: {  	v12 =	vld [tilespmem:$0x1B0]  }
0x53: {  	v13 =	vld [tilespmem:$0x190]  }
0x54: {  	v14 =	vld [tilespmem:$0xB0]  }
0x55: {  	v15 =	vld [tilespmem:$0x1A0]  }
0x56: {  	v16 =	vld [tilespmem:$0xA0]  }
0x57: {  	v17 =	vld [tilespmem:$0x150];
	v12 =	vadd.s32 v0, v12  }
0x58: {  	v18 =	vld [tilespmem:$0x90];
	v13 =	vadd.s32 v1, v13;
	[tilespmem:$0x3B0] =	vst v12  }
0x59: {  	v12 =	vld [tilespmem:$0x180];
	[tilespmem:$0x390] =	vst v13;
	v13 =	vadd.s32 v0, v14  }
0x5a: {  	v14 =	vld [tilespmem:$0x80];
	v15 =	vadd.s32 v2, v15;
	[tilespmem:$0x2B0] =	vst v13  }
0x5b: {  	v13 =	vld [tilespmem:$0x70];
	v16 =	vadd.s32 v2, v16;
	[tilespmem:$0x3A0] =	vst v15  }
0x5c: {  	v15 =	vadd.s32 v3, v17;
	v17 =	vld [tilespmem:$0x160];
	[tilespmem:$0x2A0] =	vst v16  }
0x5d: {  	[tilespmem:$0x350] =	vst v15;
	v15 =	vld [tilespmem:$0x60];
	v16 =	vadd.s32 v1, v18  }
0x5e: {  	v18 =	vld [tilespmem:$0x110];
	v12 =	vadd.s32 v4, v12;
	[tilespmem:$0x290] =	vst v16  }
0x5f: {  	v16 =	vld [tilespmem:$0x50];
	v14 =	vadd.s32 v4, v14;
	[tilespmem:$0x380] =	vst v12  }
0x60: {  	v12 =	vld [tilespmem:$0x140];
	v13 =	vadd.s32 v5, v13;
	[tilespmem:$0x280] =	vst v14  }
0x61: {  	v14 =	vld [tilespmem:$0x40];
	v17 =	vadd.s32 v6, v17;
	[tilespmem:$0x270] =	vst v13  }
0x62: {  	v13 =	vld [tilespmem:$0x130];
	v15 =	vadd.s32 v6, v15;
	[tilespmem:$0x360] =	vst v17  }
0x63: {  	v17 =	vadd.s32 v7, v18;
	v18 =	vld [tilespmem:$0x30];
	[tilespmem:$0x260] =	vst v15  }
0x64: {  	[tilespmem:$0x310] =	vst v17;
	v15 =	vld [tilespmem:$0x120];
	v16 =	vadd.s32 v3, v16  }
0x65: {  	v17 =	vld [tilespmem:$0x20];
	v12 =	vadd.s32 v8, v12;
	[tilespmem:$0x250] =	vst v16  }
0x66: {  	v14 =	vadd.s32 v8, v14;
	[tilespmem:$0x340] =	vst v12;
	v12 =	vld [tilespmem:$0x170]  }
0x67: {  	v16 =	vld [tilespmem:$0x10];
	v13 =	vadd.s32 v9, v13;
	[tilespmem:$0x240] =	vst v14  }
0x68: {  	v14 =	vld [tilespmem:$0x100];
	v18 =	vadd.s32 v9, v18;
	[tilespmem:$0x330] =	vst v13  }
0x69: {  	v13 =	vld [tilespmem:$0x0];
	v15 =	vadd.s32 v10, v15;
	[tilespmem:$0x230] =	vst v18  }
0x6a: {  	v17 =	vadd.s32 v10, v17;
	[tilespmem:$0x320] =	vst v15  }
0x6b: {  	[tilespmem:$0x220] =	vst v17;
	v12 =	vadd.s32 v5, v12  }
0x6c: {  	v15 =	vadd.s32 v7, v16;
	[tilespmem:$0x370] =	vst v12  }
0x6d: {  	v12 =	vadd.s32 v11, v14;
	[tilespmem:$0x210] =	vst v15  }
.Ltmp1:
0x6e: {  	v13 =	vadd.s32 v11, v13;
	[tilespmem:$0x300] =	vst v12;
	(pc) =	sbr.rel @p0 .LBB2_1-.Ltmp1, $4  }
0x6f: {  	[tilespmem:$0x200] =	vst v13  }
0x70: {  	[tilespmem:s9], [sflag:$0x1] =	stream.indirect.gather [hbm4b:s11+s12], $0x1, s14, s12, $0xb8;
	[tilespmem:$0x600] =	vst v63  }
0x71: {  	_ = 	snop  }
0x72: {  	[tilespmem:s10], [sflag:$0x1] =	stream.indirect.gather [hbm4b:s11+s12], $0x1, s15, s12, $0xb8;
	[tilespmem:$0x600] =	vst v63  }
.LBB2_2:
0x73: {  	[tilespmem:s17], [sflag:$0x1] =	stream.indirect.gather [hbm4b:s11+s12], $0x1, s16, s12, $0xb8;
	[tilespmem:$0x600] =	vst v63  }
0x74: {  	_ = 	snop  }
0x75: {  	[tilespmem:s19], [sflag:$0x1] =	stream.indirect.gather [hbm4b:s11+s12], $0x1, s18, s12, $0xb8;
	[tilespmem:$0x600] =	vst v63  }
0x76: {  	_ =	swait.ge [sflag:s13], $0x60  }
0x77: {  	[sflag:s13] =	ssyncset.done $0x0  }
0x78: {  	[sflag:s13] =	ssyncadd.s32 $0xFFFFFFA0  }
0x79: {  	_ =	swait.ge [sflag:s13], $0x60  }
0x7a: {  	[sflag:s13] =	ssyncset.done $0x0  }
0x7b: {  	[sflag:s13] =	ssyncadd.s32 $0xFFFFFFA0  }
0x7c: {  	_ =	swait.ge [sflag:s13], $0x60  }
0x7d: {  	[sflag:s13] =	ssyncset.done $0x0  }
0x7e: {  	[sflag:s13] =	ssyncadd.s32 $0xFFFFFFA0  }
0x7f: {  	_ =	swait.ge [sflag:s13], $0x60  }
0x80: {  	[sflag:s13] =	ssyncset.done $0x0  }
0x81: {  	[sflag:s13] =	ssyncadd.s32 $0xFFFFFFA0  }
0x82: {  	[hbm4b:s8+s2] =	stream.linear.scatter [tilespmem:s9], [sflag:$0x2], $0xC0, $0x38;
	[tilespmem:$0x600] =	vst v63  }
0x83: {  	_ =	swait.ge [sflag:s3], $0xC0  }
0x84: {  	[sflag:s3] =	ssyncset.done $0x0  }
0x85: {  	[sflag:s3] =	ssyncadd.s32 $0xFFFFFF40  }
0x86: {  	[hbm4b:s7+s2] =	stream.linear.scatter [tilespmem:s10], [sflag:$0x2], $0xC0, $0x38;
	[tilespmem:$0x600] =	vst v63  }
0x87: {  	_ =	swait.ge [sflag:s3], $0xC0  }
0x88: {  	[sflag:s3] =	ssyncset.done $0x0  }
0x89: {  	[sflag:s3] =	ssyncadd.s32 $0xFFFFFF40  }
0x8a: {  	_ =	sfence.sel $0x180000  }
0x8b: {  	[bflag:$0x0] =	sbarrier.arrive $0xFFFF  }
0x8c: {  	p0 =	sne.s32 s0, $0x0;
	_ =	strace $0x9000004A  }
0x8d: {  	s0 =	sadd.s32 @!p0 $0x100000, s1;
	[bflag:$0x2] =	sbarrier.arrive $0xFFFF  }
0x8e: {  	[sflag:s0] =	ssyncadd.tile.s32 @!p0 $0x1;
	_ =	shalt  }
.Lfunc_end2:
_tile_overlayer_lowered:
.L_overlay_start_2:
0x8f: {  	(tag) =	ssettag $0x2  }
0x90: {  	s0 =	rddreg [dreg:$0x0];
	s2 =	stileid.u32  }
0x91: {  	s1 =	rddreg [dreg:$0x1];
	p0 =	sne.s32 s2, $0x0  }
0x92: {  	s3 =	rddreg [dreg:$0x2];
	[bflag:$0x3] =	sbarrier.arrive $0xFFFF;
	s2 =	simm.s32 @!p0 $0x1C02  }
0x93: {  	[timem:s3], [sflag:s2] =	dma.local @!p0 [hbm:s0], s1  }
0x94: {  	s0 =	simm.s32 @!p0 $0x2  }
0x95: {  	_ =	swait.ge @!p0 [sflag:s0], s1  }
0x96: {  	s1 =	ssub.s32 @!p0 $0x0, s1;
	[sflag:s0] =	ssyncset.done @!p0 $0x0  }
0x97: {  	[sflag:s0] =	ssyncadd.s32 @!p0 s1  }
0x98: {  	[bflag:$0x3] =	sbarrier.arrive $0xFFFF  }
0x99: {  	_ =	shalt  }

// kernel: sparse-core-data-format-call.cloned.1.call-start
scs
called_computation_lowered:
.L_overlay_start_0:
0x0: {  	s2 =	sld [smem:$0x3FD9]  }
0x1: {  	s3 =	sld [smem:$0x3FFE];
	_ =	sdelay $0x1  }
0x2: {  	s1 =	srdreg.scid  }
0x3: {  	s0 =	sand.u32 $0x1, s1  }
0x4: {  	s18 =	sshll.u32 s0, $0xA;
	s2 =	sadd.s32 s3, s2  }
0x5: {  	s2 =	sadd.s32 s2, s18  }
0x6: {  	[smem:$0x3FC1] =	sst s2  }
0x7: {  	_ = 	snop  }
0x8: {  	s2 =	sld [smem:$0x3FC7];
	(tm) =	ssettm $0x1  }
0x9: {  	s19 =	sld [smem:$0x3FFB];
	_ =	sdelay $0x3  }
0xa: {  	_ =	strace s19  }
0xb: {  	s3 =	sld [smem:$0x3FFC];
	_ =	sdelay $0x3  }
0xc: {  	_ =	strace s3  }
0xd: {  	s3 =	sld [smem:$0x3FFD];
	_ =	sdelay $0x3  }
0xe: {  	_ =	strace s3  }
0xf: {  	_ =	strace $0x8FFFFFFF  }
0x10: {  	s20 =	sld [smem:$0x3FDB];
	_ =	sdelay $0x1  }
0x11: {  	s4 =	simm.s32 $_scs_section_size  }
0x12: {  	s5 =	simm.s32 $_size__tile_overlayer_lowered;
	s6 =	simm.s32 $_tile_overlayer_lowered  }
0x13: {  	s23 =	simm.s32 $0x1BFF;
	s22 =	sshll.u32 s6, $0x1;
	s3 =	sadd.s32 s4, s20  }
0x14: {  	s7 =	simm.s32 $0x0;
	s21 =	sshll.u32 s5, $0x1;
	s5 =	sadd.s32 s22, s3  }
0x15: {  	[timem:s7], [sflag:s23] =	dma.local [hbm:s5], s21  }
0x16: {  	_ =	swait.ge [sflag:s23], s21  }
0x17: {  	s4 =	ssub.s32 $0x0, s21;
	[sflag:s23] =	ssyncset.done $0x0  }
0x18: {  	[sflag:s23] =	ssyncadd.s32 s4;
	_ =	sdelay $0x1  }
0x19: {  	s24 =	simm.s32 $0x1B8B  }
0x1a: {  	_ =	swait.ge [sflag:s24], $0x1  }
0x1b: {  	[sflag:s24] =	ssyncset.done $0x0  }
0x1c: {  	s26 =	simm.s32 $0x1B8E;
	s25 =	sld [smem:$0x3FFE];
	[sflag:s24] =	ssyncadd.s32 $0xFFFFFFFF  }
0x1d: {  	s27 =	simm.s32 $execute0_lowered;
	[smem:$0x3FD2] =	sst s26  }
0x1e: {  	s5 =	sshll.u32 s27, $0x1;
	_ =	strace $0x80000046;
	[dreg:$0x1] =	wrdreg $0xFFFFFFFF  }
0x1f: {  	s28 =	simm.s32 $_size_execute0_lowered;
	s3 =	sadd.s32 s3, s5;
	[dreg:$0x0] =	wrdreg $0x0  }
0x20: {  	s5 =	sshll.u32 s28, $0x1;
	[dreg:$0x2] =	wrdreg s3  }
0x21: {  	[dreg:$0x3] =	wrdreg s5  }
0x22: {  	[dreg:$0x4] =	wrdreg $0xC0  }
0x23: {  	_ =	task [dreg:s7], $0x5FFFF  }
0x24: {  	[dreg:$0x1] =	wrdreg $0xFFFFFFFF  }
0x25: {  	[dreg:$0x0] =	wrdreg $0x60  }
0x26: {  	[dreg:$0x2] =	wrdreg s2  }
0x27: {  	[dreg:$0x3] =	wrdreg s25  }
0x28: {  	[dreg:$0x4] =	wrdreg $0x9  }
0x29: {  	_ =	task.clear_ibuf [dreg:s7], $0x5FFFF;
	_ =	strace $0x90000046  }
0x2a: {  	s29 =	simm.s32 $0x9;
	_ =	strace $0x80000048  }
0x2b: {  	_ =	swait.ge [sflag:s29], $0x1  }
0x2c: {  	[sflag:s29] =	ssyncadd.s32 $0xFFFFFFFF  }
0x2d: {  	_ =	strace $0x90000048  }
0x2e: {  	_ =	sfence  }
0x2f: {  	s30 =	sld [smem:$0x0];
	_ =	sdelay $0x2  }
0x30: {  	s31 =	sshll.u32 s1, $0xD;
	s1 =	sshrl.u32 s1, $0x2  }
0x31: {  	s3 =	sand.u32 $0x4000, s31;
	s1 =	sadd.s32 s1, s30  }
0x32: {  	s0 =	sor.u32 s3, s0;
	s1 =	sshll.u32 s1, $0x11  }
0x33: {  	s0 =	sor.u32 s1, s0  }
0x34: {  	s0 =	sadd.s32 $0x8F2B, s0  }
0x35: {  	[sflag:s0] =	ssyncadd.remote.s32 $0x1  }
0x36: {  	_ =	sfence.sel $0xFFFF  }
0x37: {  	[dreg:$0x0] =	wrdreg $0xFFFFFFFF;
	(pc) =	sbr.abs _section_cstart, $3  }
0x38: {  	[dreg:$0x1] =	wrdreg $0xFFFFFFFF  }
0x39: {  	_ =	task.clear_ibuf [dreg:s7], $0x2FFFF;
	_ =	strace $0x9FFFFFFF  }
0x3a: {  	(tm) =	ssettm $0x7FFFFFFF  }
0x3b: {  	_ =	shalt  }
tec
execute0_lowered:
.L_overlay_start_1:
0x0: {  	(tag) =	ssettag $0x1  }
0x1: {  	s2 =	rddreg [dreg:$0x0]  }
0x2: {  	s1 =	rddreg [dreg:$0x1]  }
0x3: {  	s0 =	rddreg [dreg:$0x2];
	_ =	strace $0x80000047;
	s4 =	srdreg.scid  }
0x4: {  	s6 =	simm.s32 $0x2;
	s11 =	simm.s32 $0x0;
	p0 =	por $0x0, $0x0  }
.Ltmp0:
0x5: {  	s7 =	simm.s32 $0x2000;
	s12 =	simm.s32 $0x0;
	(pc) =	sbr.rel .LBB1_1-.Ltmp0, $4  }
0x6: {  	s9 =	simm.s32 $0x0;
	s3 =	sadd.s32 $0x1400, s1;
	s5 =	sshll.u32 s4, $0x4  }
0x7: {  	s1 =	stileid.u32;
	s4 =	simm.s32 $0x1;
	s5 =	sand.u32 $0x10, s5  }
0x8: {  	s8 =	simm.s32 $0x0;
	[sflag:s4] =	ssyncpa.u1 $0x0;
	s5 =	sor.u32 s1, s5  }
0x9: {  	[sflag:s6] =	ssyncpa.u1 $0x0;
	s6 =	simm.s32 $0x800;
	s10 =	smov.u32 s5  }
.LBB1_7:
0xa: {  	s13 =	sadd.s32 $0x10, s9  }
0xb: {  	s11 =	sadd.s32 $0x20, s10;
	s15 =	smov.u32 s10;
	p2 =	sgt.s32 s13, $0x3F  }
0xc: {  	p1 =	slt.u32 s8, $0x2;
	s15 =	smov.u32 @p2 s11  }
0xd: {  	s8 =	sadd.s32 $0x1, s8;
	s13 =	simm.s32 @p2 $0x0;
	p2 =	sgt.s32 s15, $0x2FF  }
0xe: {  	s15 =	smov.u32 @p2 s5;
	p2 =	sne.s32 s8, $0x62  }
.Ltmp1:
0xf: {  	_ = 	snop;
	(pc) =	sbr.rel @!p2 .LBB1_8-.Ltmp1, $4  }
0x10: {  	s14 =	simm.s32 @!p1 $0x2  }
0x11: {  	s12 =	smov.u32 s10;
	_ =	swait.ge @!p1 [sflag:s14], $0x4000  }
0x12: {  	p0 =	por !p0, !p0;
	s11 =	smov.u32 s9;
	[sflag:s14] =	ssyncset.done @!p1 $0x0  }
0x13: {  	s9 =	smov.u32 s13;
	[sflag:s14] =	ssyncadd.s32 @!p1 $0xFFFFC000;
	s10 =	smov.u32 s15  }
.LBB1_1:
0x14: {  	p1 =	sgt.u32 s8, $0x5F  }
0x15: {  	s13 =	sxor.u32 @!p1 $0xFFFFFFFF, s8;
	s14 =	sshll.u32 @!p1 s10, $0xD  }
0x16: {  	s15 =	sshll.u32 @!p1 s9, $0x7;
	s13 =	sshll.u32 @!p1 s13, $0xE;
	s14 =	sadd.s32 @!p1 s2, s14  }
0x17: {  	s13 =	sand.u32 @!p1 $0x4000, s13;
	s14 =	sadd.s32 @!p1 s15, s14;
	s15 =	simm.s32 @!p1 $0x0  }
0x18: {  	[tilespmem:s13], [sflag:$0x1] =	stream.linear.gather @!p1 [hbm4b:s14+s15], $0x4000, $0x38;
	[tilespmem:$0x10000] =	vst v63  }
0x19: {  	p1 =	seq.s32 s8, $0x0  }
0x1a: {  	p2 =	seq.s32 @!p1 s8, $0x61  }
0x1b: {  	p1 =	por p1, p2  }
.Ltmp2:
0x1c: {  	_ = 	snop;
	(pc) =	sbr.rel @p1 .LBB1_7-.Ltmp2, $1  }
0x1d: {  	_ =	sdelay $0x3  }
0x1e: {  	s13 =	simm.s32 $0x1;
	_ =	swait.ge [sflag:s4], $0x4000;
	s16 =	sshll.u32 s8, $0xE  }
0x1f: {  	s13 =	simm.s32 @!p0 $0x0;
	[sflag:s4] =	ssyncset.done $0x0;
	s31 =	sand.u32 $0x4000, s16  }
0x20: {  	s16 =	simm.s32 $0x0;
	s14 =	sshll.u32 s13, $0xE;
	[sflag:s4] =	ssyncadd.s32 $0xFFFFC000  }
0x21: {  	s13 =	sor.u32 $0x8040, s14;
	s15 =	sor.u32 $0x40, s14;
	s14 =	sor.u32 $0x8000, s31  }
.LBB1_3:
0x22: {  	v0 =	vmov s15;
	_ =	sdelay $0x3  }
0x23: {  	s18 =	simm.s32 $0x0  }
0x24: {  	v6 =	vld.idx.msk [tilespmem:v0+s18+$0x30 ss:$0x1], $0xffff  }
0x25: {  	v7 =	vld.idx.msk [tilespmem:v0+s18+$0xFFFFFFC0 ss:$0x1], $0xffff  }
0x26: {  	v5 =	vld.idx.msk [tilespmem:v0+s18+$0xFFFFFFD0 ss:$0x1], $0xffff  }
0x27: {  	v4 =	vld.idx.msk [tilespmem:v0+s18+$0xFFFFFFE0 ss:$0x1], $0xffff  }
0x28: {  	v3 =	vld.idx.msk [tilespmem:v0+s18+$0xFFFFFFF0 ss:$0x1], $0xffff  }
0x29: {  	v1 =	vld.idx.msk [tilespmem:v0+s18+$0x0 ss:$0x1], $0xffff  }
0x2a: {  	v2 =	vld.idx.msk [tilespmem:v0+s18+$0x10 ss:$0x1], $0xffff;
	[tilespmem:s13+$0x30] =	vst v6  }
0x2b: {  	s17 =	simm.s32 $0x80;
	s19 =	simm.s32 $0x400;
	[tilespmem:s13+$0xFFFFFFC0] =	vst v7;
	v6 =	vld.idx.msk [tilespmem:v0+s18+$0x20 ss:$0x1], $0xffff;
	s18 =	smov.u32 s13  }
.LBB1_4:
0x2c: {  	p1 =	sne.s32 s19, $0xE00;
	v7 =	vld.idx.msk [tilespmem:v0+s17+$0x30 ss:$0x1], $0xffff;
	[tilespmem:s18+$0xFFFFFFD0] =	vst v5  }
0x2d: {  	v8 =	vld.idx.msk [tilespmem:v0+s17+$0xFFFFFFC0 ss:$0x1], $0xffff;
	[tilespmem:s18+$0xFFFFFFE0] =	vst v4  }
0x2e: {  	v5 =	vld.idx.msk [tilespmem:v0+s17+$0xFFFFFFD0 ss:$0x1], $0xffff;
	[tilespmem:s18+$0xFFFFFFF0] =	vst v3  }
.Ltmp3:
0x2f: {  	v4 =	vld.idx.msk [tilespmem:v0+s17+$0xFFFFFFE0 ss:$0x1], $0xffff;
	[tilespmem:s18+$0x0] =	vst v1;
	(pc) =	sbr.rel @p1 .LBB1_4-.Ltmp3, $4  }
0x30: {  	v3 =	vld.idx.msk [tilespmem:v0+s17+$0xFFFFFFF0 ss:$0x1], $0xffff;
	[tilespmem:s18+$0x10] =	vst v2  }
0x31: {  	v1 =	vld.idx.msk [tilespmem:v0+s17+$0x0 ss:$0x1], $0xffff;
	[tilespmem:s18+$0x20] =	vst v6;
	s18 =	sadd.s32 $0x800, s18  }
0x32: {  	v2 =	vld.idx.msk [tilespmem:v0+s17+$0x10 ss:$0x1], $0xffff;
	[tilespmem:s18+$0x30] =	vst v7  }
0x33: {  	[tilespmem:s18+$0xFFFFFFC0] =	vst v8;
	v6 =	vld.idx.msk [tilespmem:v0+s17+$0x20 ss:$0x1], $0xffff;
	s17 =	sshra.s32 s19, $0x2;
	s19 =	sadd.s32 $0x200, s19  }
0x34: {  	_ =	sdelay $0x2  }
0x35: {  	[tilespmem:s18+$0xFFFFFFD0] =	vst v5  }
0x36: {  	v56 =	vld.idx.msk [tilespmem:v0+s17+$0x30 ss:$0x1], $0xffff;
	[tilespmem:s18+$0xFFFFFFE0] =	vst v4  }
0x37: {  	v57 =	vld.idx.msk [tilespmem:v0+s17+$0xFFFFFFC0 ss:$0x1], $0xffff;
	[tilespmem:s18+$0xFFFFFFF0] =	vst v3  }
0x38: {  	v58 =	vld.idx.msk [tilespmem:v0+s17+$0xFFFFFFD0 ss:$0x1], $0xffff;
	[tilespmem:s18+$0x0] =	vst v1  }
0x39: {  	v59 =	vld.idx.msk [tilespmem:v0+s17+$0xFFFFFFE0 ss:$0x1], $0xffff;
	[tilespmem:s18+$0x10] =	vst v2  }
0x3a: {  	v60 =	vld.idx.msk [tilespmem:v0+s17+$0xFFFFFFF0 ss:$0x1], $0xffff;
	s31 =	sadd.s32 $0x800, s18;
	[tilespmem:s18+$0x20] =	vst v6  }
0x3b: {  	v61 =	vld.idx.msk [tilespmem:v0+s17+$0x0 ss:$0x1], $0xffff;
	[tilespmem:s31+$0x30] =	vst v56  }
0x3c: {  	v62 =	vld.idx.msk [tilespmem:v0+s17+$0x10 ss:$0x1], $0xffff;
	s16 =	sadd.s32 $0x1, s16;
	[tilespmem:s31+$0xFFFFFFC0] =	vst v57  }
0x3d: {  	v63 =	vld.idx.msk [tilespmem:v0+s17+$0x20 ss:$0x1], $0xffff;
	p1 =	sne.s32 s16, $0x10;
	[tilespmem:s31+$0xFFFFFFD0] =	vst v58  }
.Ltmp4:
0x3e: {  	[tilespmem:s31+$0xFFFFFFE0] =	vst v59;
	(pc) =	sbr.rel @p1 .LBB1_3-.Ltmp4, $4  }
0x3f: {  	[tilespmem:s31+$0xFFFFFFF0] =	vst v60  }
0x40: {  	[tilespmem:s31+$0x0] =	vst v61  }
0x41: {  	[tilespmem:s31+$0x10] =	vst v62  }
0x42: {  	s13 =	sadd.s32 $0x80, s13;
	s15 =	sadd.s32 $0x400, s15;
	[tilespmem:s31+$0x20] =	vst v63  }
.Ltmp5:
0x43: {  	(pc) =	sbr.rel .LBB1_7-.Ltmp5, $4  }
0x44: {  	s12 =	sshll.u32 s12, $0xD;
	s11 =	sshll.u32 s11, $0x4  }
0x45: {  	s11 =	sand.u32 $0x3F0, s11;
	s12 =	sadd.s32 s3, s12  }
0x46: {  	s11 =	sadd.s32 s11, s12  }
0x47: {  	[hbm4b:s11+s6] =	stream.strided.scatter [tilespmem:s14], [sflag:$0x2], $0x4000, s7, s6, $0x38;
	[tilespmem:$0x10000] =	vst v63  }
.LBB1_8:
0x48: {  	_ =	sfence.sel $0x180000  }
0x49: {  	s2 =	simm.s32 $0x1;
	[bflag:$0x0] =	sbarrier.arrive $0xFFFF  }
0x4a: {  	s31 =	simm.s32 $0x2;
	[sflag:s2] =	ssyncpa.u1 $0x1  }
0x4b: {  	[sflag:s31] =	ssyncpa.u1 $0x1  }
0x4c: {  	p0 =	sne.s32 s1, $0x0;
	_ =	strace $0x90000047  }
0x4d: {  	s0 =	sadd.s32 @!p0 $0x100000, s0;
	[bflag:$0x2] =	sbarrier.arrive $0xFFFF  }
0x4e: {  	[sflag:s0] =	ssyncadd.tile.s32 @!p0 $0x1;
	_ =	shalt  }
.Lfunc_end1:
_tile_overlayer_lowered:
.L_overlay_start_2:
0x4f: {  	(tag) =	ssettag $0x2  }
0x50: {  	s0 =	rddreg [dreg:$0x0];
	s2 =	stileid.u32  }
0x51: {  	s1 =	rddreg [dreg:$0x1];
	p0 =	sne.s32 s2, $0x0  }
0x52: {  	s3 =	rddreg [dreg:$0x2];
	[bflag:$0x3] =	sbarrier.arrive $0xFFFF;
	s2 =	simm.s32 @!p0 $0x1C01  }
0x53: {  	[timem:s3], [sflag:s2] =	dma.local @!p0 [hbm:s0], s1  }
0x54: {  	s0 =	simm.s32 @!p0 $0x1  }
0x55: {  	_ =	swait.ge @!p0 [sflag:s0], s1  }
0x56: {  	s1 =	ssub.s32 @!p0 $0x0, s1;
	[sflag:s0] =	ssyncset.done @!p0 $0x0  }
0x57: {  	[sflag:s0] =	ssyncadd.s32 @!p0 s1  }
0x58: {  	[bflag:$0x3] =	sbarrier.arrive $0xFFFF  }
0x59: {  	_ =	shalt  }

</sc_bundles>
